<compile_context>
chip_gen: v7x
topology: tpu7x:2x2x1
jax: 0.10.2.dev20260603
libtpu: 0.0.44.dev20260713+nightly
codegen_flags: <defaults>
</compile_context>

<pallas_src>
import functools

import jax
import jax.numpy as jnp
from jax import lax
from jax.experimental import pallas as pl
from jax.experimental.pallas import tpu as pltpu
from jax.experimental.pallas import tpu_sc as plsc

H = W = 2048
NPIX = H * W
NBINS = 128 * 128 * 128
HALF = NBINS // 2
TRASH = 2048

_CB = W // 128


def _idx_body(r_ref, g_ref, b_ref, m_ref, lo_ref, hi_ref, mp_ref):
    r = r_ref[...] >> 1
    g = g_ref[...] >> 1
    b = b_ref[...] >> 1
    lin = (r << 14) | (g << 7) | b
    trash = HALF + (lax.broadcasted_iota(jnp.int32, lin.shape, 1) & (TRASH - 1))
    in_lo = lin < HALF
    lo_ref[0] = jnp.where(in_lo, lin, trash)
    hi_ref[0] = jnp.where(in_lo, trash, lin - HALF)
    mp_ref[0] = m_ref[...]


def _bin_index(r8, g8, b8, mask):
    return pl.pallas_call(
        _idx_body,
        grid=(_CB,),
        in_specs=[pl.BlockSpec((H, 128), lambda i: (0, i))] * 4,
        out_specs=[pl.BlockSpec((1, H, 128), lambda i: (i, 0, 0))] * 3,
        out_shape=[jax.ShapeDtypeStruct((_CB, H, 128), jnp.int32)] * 2
        + [jax.ShapeDtypeStruct((_CB, H, 128), jnp.float32)],
    )(r8, g8, b8, mask)


_NTILES = 16
_CHUNK = 8192
_PER_TILE = NPIX // _NTILES
_NCHUNK = _PER_TILE // _CHUNK
_ZCHUNK = 8192
_HWORDS = HALF + TRASH
_BIN_SLICE = HALF // _NTILES


@functools.cache
def _make_hist_sc():
    mesh = plsc.VectorSubcoreMesh(core_axis_name="c", subcore_axis_name="s")
    return functools.partial(
        pl.kernel,
        mesh=mesh,
        out_type=[
            jax.ShapeDtypeStruct((NBINS,), jnp.float32),
            jax.ShapeDtypeStruct((NBINS,), jnp.float32),
        ],
        scratch_types=[
            pltpu.VMEM((_CHUNK,), jnp.int32),
            pltpu.VMEM((_CHUNK,), jnp.int32),
            pltpu.VMEM((_CHUNK,), jnp.float32),
            pltpu.VMEM((_CHUNK,), jnp.float32),
            pltpu.VMEM((_ZCHUNK,), jnp.float32),
            pltpu.VMEM_SHARED((_HWORDS,), jnp.float32),
            pltpu.SemaphoreType.DMA,
            pltpu.SemaphoreType.DMA,
            pltpu.SemaphoreType.DMA,
            pltpu.SemaphoreType.DMA,
        ],
    )(_hist_sc_body)


def _hist_sc_body(lo_hbm, hi_hbm, mask_hbm, full_out, lines_out,
                  idx_v0, idx_v1, val_v0, val_v1, z_v, hist_s,
                  isem0, isem1, vsem0, vsem1):
    cid = lax.axis_index("c")
    sid = lax.axis_index("s")
    idx_bufs = (idx_v0, idx_v1)
    val_bufs = (val_v0, val_v1)
    isems = (isem0, isem1)
    vsems = (vsem0, vsem1)

    def _fill(buf, value):
        def body(i, _):
            buf[pl.ds(i * 16, 16)] = jnp.full((16,), value, buf.dtype)
            return 0
        lax.fori_loop(0, buf.shape[0] // 16, body, 0)

    _fill(z_v, 0.0)
    _fill(val_v0, 1.0)
    _fill(val_v1, 1.0)

    def start_chunk(idx_hbm, g, b):
        base = sid * _PER_TILE + g * _CHUNK
        pltpu.make_async_copy(idx_hbm.at[pl.ds(base, _CHUNK)],
                              idx_bufs[b], isems[b]).start()

        @pl.when(cid == 1)
        def _():
            pltpu.make_async_copy(mask_hbm.at[pl.ds(base, _CHUNK)],
                                  val_bufs[b], vsems[b]).start()

    def wait_chunk(b):
        pltpu.make_async_copy(lo_hbm.at[pl.ds(0, _CHUNK)],
                              idx_bufs[b], isems[b]).wait()

        @pl.when(cid == 1)
        def _():
            pltpu.make_async_copy(mask_hbm.at[pl.ds(0, _CHUNK)],
                                  val_bufs[b], vsems[b]).wait()

    for half, idx_hbm in ((0, lo_hbm), (1, hi_hbm)):
        start_chunk(idx_hbm, 0, 0)
        start_chunk(idx_hbm, 1, 1)

        def zbody(k, _):
            pltpu.sync_copy(z_v, hist_s.at[pl.ds(sid * _BIN_SLICE + k * _ZCHUNK, _ZCHUNK)])
            return 0
        lax.fori_loop(0, _BIN_SLICE // _ZCHUNK, zbody, 0)
        plsc.subcore_barrier()

        def pair(gg, _):
            for b in range(2):
                g = 2 * gg + b
                wait_chunk(b)
                pltpu.sync_copy(val_bufs[b], hist_s.at[idx_bufs[b]], add=True)

                @pl.when(g + 2 < _NCHUNK)
                def _():
                    start_chunk(idx_hbm, g + 2, b)
            return 0
        lax.fori_loop(0, _NCHUNK // 2, pair, 0)
        plsc.subcore_barrier()

        src = sid * _BIN_SLICE
        dst = half * HALF + src

        @pl.when(cid == 0)
        def _():
            pltpu.sync_copy(hist_s.at[pl.ds(src, _BIN_SLICE)],
                            full_out.at[pl.ds(dst, _BIN_SLICE)])

        @pl.when(cid == 1)
        def _():
            pltpu.sync_copy(hist_s.at[pl.ds(src, _BIN_SLICE)],
                            lines_out.at[pl.ds(dst, _BIN_SLICE)])


_RROWS = NBINS // 128
_RBLK = 2048
_RGRID = _RROWS // _RBLK


def _sums_body(full_ref, lines_ref, newfull_ref, sl_ref, slw_ref):
    i = pl.program_id(0)
    f = full_ref[...]
    l = lines_ref[...] + 1e-10
    w = jnp.log(l / (f + 1.0))
    newfull_ref[...] = f.astype(jnp.int32)

    @pl.when(i == 0)
    def _z():
        sl_ref[0, 0] = 0.0
        slw_ref[0, 0] = 0.0
    sl_ref[0, 0] += jnp.sum(l)
    slw_ref[0, 0] += jnp.sum(l * w)


def _filt_body(full_ref, lines_ref, c_ref, filt_ref):
    l = lines_ref[...] + 1e-10
    w = jnp.log(l / (full_ref[...] + 1.0))
    filt_ref[...] = w > c_ref[0, 0]


def _ratios(full_f32, lines_f32):
    f2 = full_f32.reshape(_RROWS, 128)
    l2 = lines_f32.reshape(_RROWS, 128)
    new_full, sl, slw = pl.pallas_call(
        _sums_body,
        grid=(_RGRID,),
        in_specs=[pl.BlockSpec((_RBLK, 128), lambda i: (i, 0))] * 2,
        out_specs=[
            pl.BlockSpec((_RBLK, 128), lambda i: (i, 0)),
            pl.BlockSpec(memory_space=pltpu.SMEM),
            pl.BlockSpec(memory_space=pltpu.SMEM),
        ],
        out_shape=[
            jax.ShapeDtypeStruct((_RROWS, 128), jnp.int32),
            jax.ShapeDtypeStruct((1, 1), jnp.float32),
            jax.ShapeDtypeStruct((1, 1), jnp.float32),
        ],
    )(f2, l2)
    c = slw / sl
    filt = pl.pallas_call(
        _filt_body,
        grid=(_RGRID,),
        in_specs=[pl.BlockSpec((_RBLK, 128), lambda i: (i, 0))] * 2
        + [pl.BlockSpec(memory_space=pltpu.SMEM)],
        out_specs=pl.BlockSpec((_RBLK, 128), lambda i: (i, 0)),
        out_shape=jax.ShapeDtypeStruct((_RROWS, 128), jnp.bool_),
    )(f2, l2, c)
    return new_full, filt


def kernel(img, mask, full, lines):
    r8 = img[:, :, 0]
    g8 = img[:, :, 1]
    b8 = img[:, :, 2]
    idx_lo, idx_hi, mask_p = _bin_index(r8, g8, b8, mask)
    full_f32, lines_f32 = _make_hist_sc()(
        idx_lo.reshape(NPIX), idx_hi.reshape(NPIX), mask_p.reshape(NPIX))
    new_full, filt = _ratios(full_f32, lines_f32)
    return (new_full.reshape(128, 128, 128),
            lines_f32.reshape(128, 128, 128),
            filt.reshape(128, 128, 128))

# --- scband reference (transcript-rebuilt; emitter-appended) ---
"""Pipeline reference for scband-color-counter-43757126812179 (READ-ONLY COPY).

The authoritative reference and input builder live on the scoring server;
editing this copy changes nothing except your own understanding.
"""

import jax, jax.numpy as jnp
import numpy as np


def setup_inputs(seed: int = 0) -> dict:
    key = jax.random.key(seed)
    k1, k2 = jax.random.split(key)
    img = jax.random.randint(k1, (2048, 2048, 3), 0, 256, dtype=jnp.int32)
    mask = jax.random.uniform(k2, (2048, 2048), dtype=jnp.float32)
    full = jnp.zeros((128, 128, 128), dtype=jnp.int32)
    lines = jnp.zeros((128, 128, 128), dtype=jnp.float32)
    return {"img": img, "mask": mask, "full": full, "lines": lines}


def reference(img, mask, full, lines):
    # _push_image: quantize colors to 7 bits per channel (img // 2), keep RGB
    imgq = (img // 2)[:, :, :3]
    h, w, _ = imgq.shape
    xs = imgq.reshape(h * w, 3)
    # _push_one on `full` with counts = 1 (scatter-add into 128^3 histogram)
    new_full = full.at[xs[:, 0], xs[:, 1], xs[:, 2]].add(1)
    # _push_one on `lines` with counts = mask (float-weighted scatter-add)
    new_lines = lines.at[xs[:, 0], xs[:, 1], xs[:, 2]].add(mask.reshape(h * w))
    # get_ratios
    l = new_lines + 1e-10
    f = new_full.astype(jnp.float32) + 1.0
    l = l / jnp.sum(l)
    f = f / jnp.sum(f)
    log_ratios = jnp.log(l / f)
    avg_log_ratios = jnp.sum(l * log_ratios)
    color_filter = log_ratios > avg_log_ratios
    return new_full, new_lines, color_filter

if __name__ == "__main__":
    import jax
    _d = setup_inputs()
    print(jax.jit(kernel)(*tuple(_d.values())))

</pallas_src>

<mosaic_0001>
#map = affine_map<(d0, d1) -> (0)>
module attributes {stable_mosaic.version = 14 : i64} {
  func.func @_hist_sc_body(%arg0: i32, %arg1: i32, %arg2: memref<4194304xi32, #tpu.memory_space<hbm>>, %arg3: memref<4194304xi32, #tpu.memory_space<hbm>>, %arg4: memref<4194304xf32, #tpu.memory_space<hbm>>, %arg5: memref<2097152xf32, #tpu.memory_space<hbm>>, %arg6: memref<2097152xf32, #tpu.memory_space<hbm>>, %arg7: memref<8192xi32, #tpu.memory_space<vmem>>, %arg8: memref<8192xi32, #tpu.memory_space<vmem>>, %arg9: memref<8192xf32, #tpu.memory_space<vmem>>, %arg10: memref<8192xf32, #tpu.memory_space<vmem>>, %arg11: memref<8192xf32, #tpu.memory_space<vmem>>, %arg12: memref<1050624xf32, #tpu.memory_space<vmem_shared>>, %arg13: memref<!tpu.dma_semaphore, #tpu.memory_space<semaphore_mem>>, %arg14: memref<!tpu.dma_semaphore, #tpu.memory_space<semaphore_mem>>, %arg15: memref<!tpu.dma_semaphore, #tpu.memory_space<semaphore_mem>>, %arg16: memref<!tpu.dma_semaphore, #tpu.memory_space<semaphore_mem>>) attributes {dimension_semantics = [#tpu.dimension_semantics<core_parallel>, #tpu.dimension_semantics<subcore_parallel>], iteration_bounds = array<i64: 2, 16>, scalar_prefetch = 0 : i64, scratch_operands = 10 : i64, tpu.core_type = #tpu.core_type<sc_vector_subcore>, window_params = [{transform_indices = #map}, {transform_indices = #map}, {transform_indices = #map}, {transform_indices = #map}, {transform_indices = #map}]} {
    %scan3A = arith.constant 0 : i32
    %scan3A_0 = arith.constant 0 : i32
    %scan3A_1 = arith.constant 512 : i32
    %scan3A_2 = arith.addi %scan3A_0, %scan3A_1 : i32
    %scan3A_3 = arith.constant 1 : i32
    %scan3A_4 = scf.for %scan3A_117 = %scan3A_0 to %scan3A_2 step %scan3A_3 iter_args(%scan3A_118 = %scan3A) -> (i32)  : i32 {
      %broadcast_in_dim3A = arith.constant 0.000000e+00 : f32
      %broadcast_in_dim3A_119 = vector.broadcast %broadcast_in_dim3A : f32 to vector<16xf32>
      %mul3A_120 = arith.constant 16 : i32
      %mul3A_121 = arith.muli %scan3A_117, %mul3A_120 : i32
      %swap3A = arith.index_cast %mul3A_121 : i32 to index
      %swap3A_122 = tpu.vector_load %arg11[%swap3A] {strides = array<i32>} : memref<8192xf32, #tpu.memory_space<vmem>>, vector<16xf32>,
      %swap3A_123 = vector.shape_cast %swap3A_122 : vector<16xf32> to vector<16xf32>
      %swap3A_124 = vector.shape_cast %broadcast_in_dim3A_119 : vector<16xf32> to vector<16xf32>
      tpu.vector_store %arg11[%swap3A], %swap3A_124 {strides = array<i32>} : memref<8192xf32, #tpu.memory_space<vmem>>, vector<16xf32>,
      %scan3A_125 = arith.constant 0 : i32
      scf.yield %scan3A_125 : i32
    }
    %scan3A_5 = arith.constant 512 : i32
    %scan3A_6 = arith.constant 0 : i32
    %scan3A_7 = arith.constant 0 : i32
    %scan3A_8 = arith.constant 512 : i32
    %scan3A_9 = arith.addi %scan3A_7, %scan3A_8 : i32
    %scan3A_10 = arith.constant 1 : i32
    %scan3A_11 = scf.for %scan3A_117 = %scan3A_7 to %scan3A_9 step %scan3A_10 iter_args(%scan3A_118 = %scan3A_6) -> (i32)  : i32 {
      %broadcast_in_dim3A = arith.constant 1.000000e+00 : f32
      %broadcast_in_dim3A_119 = vector.broadcast %broadcast_in_dim3A : f32 to vector<16xf32>
      %mul3A_120 = arith.constant 16 : i32
      %mul3A_121 = arith.muli %scan3A_117, %mul3A_120 : i32
      %swap3A = arith.index_cast %mul3A_121 : i32 to index
      %swap3A_122 = tpu.vector_load %arg9[%swap3A] {strides = array<i32>} : memref<8192xf32, #tpu.memory_space<vmem>>, vector<16xf32>,
      %swap3A_123 = vector.shape_cast %swap3A_122 : vector<16xf32> to vector<16xf32>
      %swap3A_124 = vector.shape_cast %broadcast_in_dim3A_119 : vector<16xf32> to vector<16xf32>
      tpu.vector_store %arg9[%swap3A], %swap3A_124 {strides = array<i32>} : memref<8192xf32, #tpu.memory_space<vmem>>, vector<16xf32>,
      %scan3A_125 = arith.constant 0 : i32
      scf.yield %scan3A_125 : i32
    }
    %scan3A_12 = arith.constant 512 : i32
    %scan3A_13 = arith.constant 0 : i32
    %scan3A_14 = arith.constant 0 : i32
    %scan3A_15 = arith.constant 512 : i32
    %scan3A_16 = arith.addi %scan3A_14, %scan3A_15 : i32
    %scan3A_17 = arith.constant 1 : i32
    %scan3A_18 = scf.for %scan3A_117 = %scan3A_14 to %scan3A_16 step %scan3A_17 iter_args(%scan3A_118 = %scan3A_13) -> (i32)  : i32 {
      %broadcast_in_dim3A = arith.constant 1.000000e+00 : f32
      %broadcast_in_dim3A_119 = vector.broadcast %broadcast_in_dim3A : f32 to vector<16xf32>
      %mul3A_120 = arith.constant 16 : i32
      %mul3A_121 = arith.muli %scan3A_117, %mul3A_120 : i32
      %swap3A = arith.index_cast %mul3A_121 : i32 to index
      %swap3A_122 = tpu.vector_load %arg10[%swap3A] {strides = array<i32>} : memref<8192xf32, #tpu.memory_space<vmem>>, vector<16xf32>,
      %swap3A_123 = vector.shape_cast %swap3A_122 : vector<16xf32> to vector<16xf32>
      %swap3A_124 = vector.shape_cast %broadcast_in_dim3A_119 : vector<16xf32> to vector<16xf32>
      tpu.vector_store %arg10[%swap3A], %swap3A_124 {strides = array<i32>} : memref<8192xf32, #tpu.memory_space<vmem>>, vector<16xf32>,
      %scan3A_125 = arith.constant 0 : i32
      scf.yield %scan3A_125 : i32
    }
    %scan3A_19 = arith.constant 512 : i32
    %mul3A = arith.constant 262144 : i32
    %mul3A_20 = arith.muli %arg1, %mul3A : i32
    %add3A = arith.constant 0 : i32
    %add3A_21 = arith.addi %mul3A_20, %add3A : i32
    %dma_start3A = tpu.memref_slice %arg2[%add3A_21] : memref<4194304xi32, #tpu.memory_space<hbm>> -> memref<8192xi32, #tpu.memory_space<hbm>>
    %dma_start3A_22 = tpu.memref_slice %arg2[%add3A_21] : memref<4194304xi32, #tpu.memory_space<hbm>> -> memref<8192xi32, #tpu.memory_space<hbm>>
    tpu.enqueue_dma source(%dma_start3A_22 : memref<8192xi32, #tpu.memory_space<hbm>>) target(%arg7 : memref<8192xi32, #tpu.memory_space<vmem>>) target_semaphore(%arg13 : memref<!tpu.dma_semaphore, #tpu.memory_space<semaphore_mem>>)
    %eq3A = arith.constant 1 : i32
    %eq3A_23 = arith.cmpi eq, %arg0, %eq3A : i32
    %convert_element_type3A = arith.extui %eq3A_23 : i1 to i32
    %cond3A = arith.constant 0 : i32
    %cond3A_24 = arith.cmpi ne, %convert_element_type3A, %cond3A : i32
    scf.if %cond3A_24 {
      %dma_start3A_117 = tpu.memref_slice %arg4[%add3A_21] : memref<4194304xf32, #tpu.memory_space<hbm>> -> memref<8192xf32, #tpu.memory_space<hbm>>
      %dma_start3A_118 = tpu.memref_slice %arg4[%add3A_21] : memref<4194304xf32, #tpu.memory_space<hbm>> -> memref<8192xf32, #tpu.memory_space<hbm>>
      tpu.enqueue_dma source(%dma_start3A_118 : memref<8192xf32, #tpu.memory_space<hbm>>) target(%arg9 : memref<8192xf32, #tpu.memory_space<vmem>>) target_semaphore(%arg15 : memref<!tpu.dma_semaphore, #tpu.memory_space<semaphore_mem>>)
    } else {
    }
    %mul3A_25 = arith.constant 262144 : i32
    %mul3A_26 = arith.muli %arg1, %mul3A_25 : i32
    %add3A_27 = arith.constant 8192 : i32
    %add3A_28 = arith.addi %mul3A_26, %add3A_27 : i32
    %dma_start3A_29 = tpu.memref_slice %arg2[%add3A_28] : memref<4194304xi32, #tpu.memory_space<hbm>> -> memref<8192xi32, #tpu.memory_space<hbm>>
    %dma_start3A_30 = tpu.memref_slice %arg2[%add3A_28] : memref<4194304xi32, #tpu.memory_space<hbm>> -> memref<8192xi32, #tpu.memory_space<hbm>>
    tpu.enqueue_dma source(%dma_start3A_30 : memref<8192xi32, #tpu.memory_space<hbm>>) target(%arg8 : memref<8192xi32, #tpu.memory_space<vmem>>) target_semaphore(%arg14 : memref<!tpu.dma_semaphore, #tpu.memory_space<semaphore_mem>>)
    %eq3A_31 = arith.constant 1 : i32
    %eq3A_32 = arith.cmpi eq, %arg0, %eq3A_31 : i32
    %convert_element_type3A_33 = arith.extui %eq3A_32 : i1 to i32
    %cond3A_34 = arith.constant 0 : i32
    %cond3A_35 = arith.cmpi ne, %convert_element_type3A_33, %cond3A_34 : i32
    scf.if %cond3A_35 {
      %dma_start3A_117 = tpu.memref_slice %arg4[%add3A_28] : memref<4194304xf32, #tpu.memory_space<hbm>> -> memref<8192xf32, #tpu.memory_space<hbm>>
      %dma_start3A_118 = tpu.memref_slice %arg4[%add3A_28] : memref<4194304xf32, #tpu.memory_space<hbm>> -> memref<8192xf32, #tpu.memory_space<hbm>>
      tpu.enqueue_dma source(%dma_start3A_118 : memref<8192xf32, #tpu.memory_space<hbm>>) target(%arg10 : memref<8192xf32, #tpu.memory_space<vmem>>) target_semaphore(%arg16 : memref<!tpu.dma_semaphore, #tpu.memory_space<semaphore_mem>>)
    } else {
    }
    %scan3A_36 = arith.constant 0 : i32
    %scan3A_37 = arith.constant 0 : i32
    %scan3A_38 = arith.constant 8 : i32
    %scan3A_39 = arith.addi %scan3A_37, %scan3A_38 : i32
    %scan3A_40 = arith.constant 1 : i32
    %scan3A_41 = scf.for %scan3A_117 = %scan3A_37 to %scan3A_39 step %scan3A_40 iter_args(%scan3A_118 = %scan3A_36) -> (i32)  : i32 {
      %mul3A_119 = arith.constant 65536 : i32
      %mul3A_120 = arith.muli %arg1, %mul3A_119 : i32
      %mul3A_121 = arith.constant 8192 : i32
      %mul3A_122 = arith.muli %scan3A_117, %mul3A_121 : i32
      %add3A_123 = arith.addi %mul3A_120, %mul3A_122 : i32
      "tpu.region"() ({
        %run_scoped3A = tpu.sem_alloc : memref<!tpu.dma_semaphore, #tpu.memory_space<semaphore_mem>>
        %dma_start3A_125 = tpu.memref_slice %arg12[%add3A_123] : memref<1050624xf32, #tpu.memory_space<vmem_shared>> -> memref<8192xf32, #tpu.memory_space<vmem_shared>>
        %dma_start3A_126 = tpu.memref_slice %arg12[%add3A_123] : memref<1050624xf32, #tpu.memory_space<vmem_shared>> -> memref<8192xf32, #tpu.memory_space<vmem_shared>>
        tpu.enqueue_dma source(%arg11 : memref<8192xf32, #tpu.memory_space<vmem>>) target(%dma_start3A_126 : memref<8192xf32, #tpu.memory_space<vmem_shared>>) target_semaphore(%run_scoped3A : memref<!tpu.dma_semaphore, #tpu.memory_space<semaphore_mem>>)
        %dma_wait3A = tpu.memref_slice %arg12[%add3A_123] : memref<1050624xf32, #tpu.memory_space<vmem_shared>> -> memref<8192xf32, #tpu.memory_space<vmem_shared>>
        %dma_wait3A_127 = tpu.memref_slice %arg12[%add3A_123] : memref<1050624xf32, #tpu.memory_space<vmem_shared>> -> memref<8192xf32, #tpu.memory_space<vmem_shared>>
        tpu.wait_dma2 semaphore(%run_scoped3A : memref<!tpu.dma_semaphore, #tpu.memory_space<semaphore_mem>>) src(%arg11 : memref<8192xf32, #tpu.memory_space<vmem>>) dst(%dma_wait3A_127 : memref<8192xf32, #tpu.memory_space<vmem_shared>>)
        tpu.yield
      }) : () -> ()
      %scan3A_124 = arith.constant 0 : i32
      scf.yield %scan3A_124 : i32
    }
    %scan3A_42 = arith.constant 8 : i32
    %barrier3A = arith.constant 0 : index
    tpu.barrier barrier_id(%barrier3A)
    %scan3A_43 = arith.constant 0 : i32
    %scan3A_44 = arith.constant 0 : i32
    %scan3A_45 = arith.constant 16 : i32
    %scan3A_46 = arith.addi %scan3A_44, %scan3A_45 : i32
    %scan3A_47 = arith.constant 1 : i32
    %scan3A_48 = scf.for %scan3A_117 = %scan3A_44 to %scan3A_46 step %scan3A_47 iter_args(%scan3A_118 = %scan3A_43) -> (i32)  : i32 {
      %mul3A_119 = arith.constant 2 : i32
      %mul3A_120 = arith.muli %mul3A_119, %scan3A_117 : i32
      %add3A_121 = arith.constant 0 : i32
      %add3A_122 = arith.addi %mul3A_120, %add3A_121 : i32
      %dma_wait3A = arith.constant 0 : i32
      %dma_wait3A_123 = tpu.memref_slice %arg2[%dma_wait3A] : memref<4194304xi32, #tpu.memory_space<hbm>> -> memref<8192xi32, #tpu.memory_space<hbm>>
      %dma_wait3A_124 = arith.constant 0 : i32
      %dma_wait3A_125 = tpu.memref_slice %arg2[%dma_wait3A_124] : memref<4194304xi32, #tpu.memory_space<hbm>> -> memref<8192xi32, #tpu.memory_space<hbm>>
      tpu.wait_dma2 semaphore(%arg13 : memref<!tpu.dma_semaphore, #tpu.memory_space<semaphore_mem>>) src(%dma_wait3A_125 : memref<8192xi32, #tpu.memory_space<hbm>>) dst(%arg7 : memref<8192xi32, #tpu.memory_space<vmem>>)
      %eq3A_126 = arith.constant 1 : i32
      %eq3A_127 = arith.cmpi eq, %arg0, %eq3A_126 : i32
      %convert_element_type3A_128 = arith.extui %eq3A_127 : i1 to i32
      %cond3A_129 = arith.constant 0 : i32
      %cond3A_130 = arith.cmpi ne, %convert_element_type3A_128, %cond3A_129 : i32
      scf.if %cond3A_130 {
        %dma_wait3A_158 = arith.constant 0 : i32
        %dma_wait3A_159 = tpu.memref_slice %arg4[%dma_wait3A_158] : memref<4194304xf32, #tpu.memory_space<hbm>> -> memref<8192xf32, #tpu.memory_space<hbm>>
        %dma_wait3A_160 = arith.constant 0 : i32
        %dma_wait3A_161 = tpu.memref_slice %arg4[%dma_wait3A_160] : memref<4194304xf32, #tpu.memory_space<hbm>> -> memref<8192xf32, #tpu.memory_space<hbm>>
        tpu.wait_dma2 semaphore(%arg15 : memref<!tpu.dma_semaphore, #tpu.memory_space<semaphore_mem>>) src(%dma_wait3A_161 : memref<8192xf32, #tpu.memory_space<hbm>>) dst(%arg9 : memref<8192xf32, #tpu.memory_space<vmem>>)
      } else {
      }
      "tpu.region"() ({
        %run_scoped3A = tpu.sem_alloc : memref<!tpu.dma_semaphore, #tpu.memory_space<semaphore_mem>>
        %dma_start3A_158 = arith.constant 0 : i32
        %dma_start3A_159 = tpu.memref_slice %arg12[%dma_start3A_158] : memref<1050624xf32, #tpu.memory_space<vmem_shared>> -> memref<1050624xf32, #tpu.memory_space<vmem_shared>>
        tpu.enqueue_indirect_dma source(%arg9 : memref<8192xf32, #tpu.memory_space<vmem>>) target(%dma_start3A_159 : memref<1050624xf32, #tpu.memory_space<vmem_shared>>) offsets(%arg7 : memref<8192xi32, #tpu.memory_space<vmem>>) semaphore(%run_scoped3A : memref<!tpu.dma_semaphore, #tpu.memory_space<semaphore_mem>>) {add = true}
        %dma_wait3A_160 = arith.constant 0 : i32
        %dma_wait3A_161 = tpu.memref_slice %arg12[%dma_wait3A_160] : memref<1050624xf32, #tpu.memory_space<vmem_shared>> -> memref<1050624xf32, #tpu.memory_space<vmem_shared>>
        tpu.wait_indirect_dma semaphore(%run_scoped3A : memref<!tpu.dma_semaphore, #tpu.memory_space<semaphore_mem>>) src(%arg9 : memref<8192xf32, #tpu.memory_space<vmem>>) dst(%dma_wait3A_161 : memref<1050624xf32, #tpu.memory_space<vmem_shared>>)
        tpu.yield
      }) : () -> ()
      %add3A_131 = arith.constant 2 : i32
      %add3A_132 = arith.addi %add3A_122, %add3A_131 : i32
      %lt3A = arith.constant 32 : i32
      %lt3A_133 = arith.cmpi slt, %add3A_132, %lt3A : i32
      %convert_element_type3A_134 = arith.extui %lt3A_133 : i1 to i32
      %cond3A_135 = arith.constant 0 : i32
      %cond3A_136 = arith.cmpi ne, %convert_element_type3A_134, %cond3A_135 : i32
      scf.if %cond3A_136 {
        %add3A_158 = arith.constant 2 : i32
        %add3A_159 = arith.addi %add3A_122, %add3A_158 : i32
        %mul3A_160 = arith.constant 262144 : i32
        %mul3A_161 = arith.muli %arg1, %mul3A_160 : i32
        %mul3A_162 = arith.constant 8192 : i32
        %mul3A_163 = arith.muli %add3A_159, %mul3A_162 : i32
        %add3A_164 = arith.addi %mul3A_161, %mul3A_163 : i32
        %dma_start3A_165 = tpu.memref_slice %arg2[%add3A_164] : memref<4194304xi32, #tpu.memory_space<hbm>> -> memref<8192xi32, #tpu.memory_space<hbm>>
        %dma_start3A_166 = tpu.memref_slice %arg2[%add3A_164] : memref<4194304xi32, #tpu.memory_space<hbm>> -> memref<8192xi32, #tpu.memory_space<hbm>>
        tpu.enqueue_dma source(%dma_start3A_166 : memref<8192xi32, #tpu.memory_space<hbm>>) target(%arg7 : memref<8192xi32, #tpu.memory_space<vmem>>) target_semaphore(%arg13 : memref<!tpu.dma_semaphore, #tpu.memory_space<semaphore_mem>>)
        %eq3A_167 = arith.constant 1 : i32
        %eq3A_168 = arith.cmpi eq, %arg0, %eq3A_167 : i32
        %convert_element_type3A_169 = arith.extui %eq3A_168 : i1 to i32
        %cond3A_170 = arith.constant 0 : i32
        %cond3A_171 = arith.cmpi ne, %convert_element_type3A_169, %cond3A_170 : i32
        scf.if %cond3A_171 {
          %dma_start3A_172 = tpu.memref_slice %arg4[%add3A_164] : memref<4194304xf32, #tpu.memory_space<hbm>> -> memref<8192xf32, #tpu.memory_space<hbm>>
          %dma_start3A_173 = tpu.memref_slice %arg4[%add3A_164] : memref<4194304xf32, #tpu.memory_space<hbm>> -> memref<8192xf32, #tpu.memory_space<hbm>>
          tpu.enqueue_dma source(%dma_start3A_173 : memref<8192xf32, #tpu.memory_space<hbm>>) target(%arg9 : memref<8192xf32, #tpu.memory_space<vmem>>) target_semaphore(%arg15 : memref<!tpu.dma_semaphore, #tpu.memory_space<semaphore_mem>>)
        } else {
        }
      } else {
      }
      %mul3A_137 = arith.constant 2 : i32
      %mul3A_138 = arith.muli %mul3A_137, %scan3A_117 : i32
      %add3A_139 = arith.constant 1 : i32
      %add3A_140 = arith.addi %mul3A_138, %add3A_139 : i32
      %dma_wait3A_141 = arith.constant 0 : i32
      %dma_wait3A_142 = tpu.memref_slice %arg2[%dma_wait3A_141] : memref<4194304xi32, #tpu.memory_space<hbm>> -> memref<8192xi32, #tpu.memory_space<hbm>>
      %dma_wait3A_143 = arith.constant 0 : i32
      %dma_wait3A_144 = tpu.memref_slice %arg2[%dma_wait3A_143] : memref<4194304xi32, #tpu.memory_space<hbm>> -> memref<8192xi32, #tpu.memory_space<hbm>>
      tpu.wait_dma2 semaphore(%arg14 : memref<!tpu.dma_semaphore, #tpu.memory_space<semaphore_mem>>) src(%dma_wait3A_144 : memref<8192xi32, #tpu.memory_space<hbm>>) dst(%arg8 : memref<8192xi32, #tpu.memory_space<vmem>>)
      %eq3A_145 = arith.constant 1 : i32
      %eq3A_146 = arith.cmpi eq, %arg0, %eq3A_145 : i32
      %convert_element_type3A_147 = arith.extui %eq3A_146 : i1 to i32
      %cond3A_148 = arith.constant 0 : i32
      %cond3A_149 = arith.cmpi ne, %convert_element_type3A_147, %cond3A_148 : i32
      scf.if %cond3A_149 {
        %dma_wait3A_158 = arith.constant 0 : i32
        %dma_wait3A_159 = tpu.memref_slice %arg4[%dma_wait3A_158] : memref<4194304xf32, #tpu.memory_space<hbm>> -> memref<8192xf32, #tpu.memory_space<hbm>>
        %dma_wait3A_160 = arith.constant 0 : i32
        %dma_wait3A_161 = tpu.memref_slice %arg4[%dma_wait3A_160] : memref<4194304xf32, #tpu.memory_space<hbm>> -> memref<8192xf32, #tpu.memory_space<hbm>>
        tpu.wait_dma2 semaphore(%arg16 : memref<!tpu.dma_semaphore, #tpu.memory_space<semaphore_mem>>) src(%dma_wait3A_161 : memref<8192xf32, #tpu.memory_space<hbm>>) dst(%arg10 : memref<8192xf32, #tpu.memory_space<vmem>>)
      } else {
      }
      "tpu.region"() ({
        %run_scoped3A = tpu.sem_alloc : memref<!tpu.dma_semaphore, #tpu.memory_space<semaphore_mem>>
        %dma_start3A_158 = arith.constant 0 : i32
        %dma_start3A_159 = tpu.memref_slice %arg12[%dma_start3A_158] : memref<1050624xf32, #tpu.memory_space<vmem_shared>> -> memref<1050624xf32, #tpu.memory_space<vmem_shared>>
        tpu.enqueue_indirect_dma source(%arg10 : memref<8192xf32, #tpu.memory_space<vmem>>) target(%dma_start3A_159 : memref<1050624xf32, #tpu.memory_space<vmem_shared>>) offsets(%arg8 : memref<8192xi32, #tpu.memory_space<vmem>>) semaphore(%run_scoped3A : memref<!tpu.dma_semaphore, #tpu.memory_space<semaphore_mem>>) {add = true}
        %dma_wait3A_160 = arith.constant 0 : i32
        %dma_wait3A_161 = tpu.memref_slice %arg12[%dma_wait3A_160] : memref<1050624xf32, #tpu.memory_space<vmem_shared>> -> memref<1050624xf32, #tpu.memory_space<vmem_shared>>
        tpu.wait_indirect_dma semaphore(%run_scoped3A : memref<!tpu.dma_semaphore, #tpu.memory_space<semaphore_mem>>) src(%arg10 : memref<8192xf32, #tpu.memory_space<vmem>>) dst(%dma_wait3A_161 : memref<1050624xf32, #tpu.memory_space<vmem_shared>>)
        tpu.yield
      }) : () -> ()
      %add3A_150 = arith.constant 2 : i32
      %add3A_151 = arith.addi %add3A_140, %add3A_150 : i32
      %lt3A_152 = arith.constant 32 : i32
      %lt3A_153 = arith.cmpi slt, %add3A_151, %lt3A_152 : i32
      %convert_element_type3A_154 = arith.extui %lt3A_153 : i1 to i32
      %cond3A_155 = arith.constant 0 : i32
      %cond3A_156 = arith.cmpi ne, %convert_element_type3A_154, %cond3A_155 : i32
      scf.if %cond3A_156 {
        %add3A_158 = arith.constant 2 : i32
        %add3A_159 = arith.addi %add3A_140, %add3A_158 : i32
        %mul3A_160 = arith.constant 262144 : i32
        %mul3A_161 = arith.muli %arg1, %mul3A_160 : i32
        %mul3A_162 = arith.constant 8192 : i32
        %mul3A_163 = arith.muli %add3A_159, %mul3A_162 : i32
        %add3A_164 = arith.addi %mul3A_161, %mul3A_163 : i32
        %dma_start3A_165 = tpu.memref_slice %arg2[%add3A_164] : memref<4194304xi32, #tpu.memory_space<hbm>> -> memref<8192xi32, #tpu.memory_space<hbm>>
        %dma_start3A_166 = tpu.memref_slice %arg2[%add3A_164] : memref<4194304xi32, #tpu.memory_space<hbm>> -> memref<8192xi32, #tpu.memory_space<hbm>>
        tpu.enqueue_dma source(%dma_start3A_166 : memref<8192xi32, #tpu.memory_space<hbm>>) target(%arg8 : memref<8192xi32, #tpu.memory_space<vmem>>) target_semaphore(%arg14 : memref<!tpu.dma_semaphore, #tpu.memory_space<semaphore_mem>>)
        %eq3A_167 = arith.constant 1 : i32
        %eq3A_168 = arith.cmpi eq, %arg0, %eq3A_167 : i32
        %convert_element_type3A_169 = arith.extui %eq3A_168 : i1 to i32
        %cond3A_170 = arith.constant 0 : i32
        %cond3A_171 = arith.cmpi ne, %convert_element_type3A_169, %cond3A_170 : i32
        scf.if %cond3A_171 {
          %dma_start3A_172 = tpu.memref_slice %arg4[%add3A_164] : memref<4194304xf32, #tpu.memory_space<hbm>> -> memref<8192xf32, #tpu.memory_space<hbm>>
          %dma_start3A_173 = tpu.memref_slice %arg4[%add3A_164] : memref<4194304xf32, #tpu.memory_space<hbm>> -> memref<8192xf32, #tpu.memory_space<hbm>>
          tpu.enqueue_dma source(%dma_start3A_173 : memref<8192xf32, #tpu.memory_space<hbm>>) target(%arg10 : memref<8192xf32, #tpu.memory_space<vmem>>) target_semaphore(%arg16 : memref<!tpu.dma_semaphore, #tpu.memory_space<semaphore_mem>>)
        } else {
        }
      } else {
      }
      %scan3A_157 = arith.constant 0 : i32
      scf.yield %scan3A_157 : i32
    }
    %scan3A_49 = arith.constant 16 : i32
    %barrier3A_50 = arith.constant 0 : index
    tpu.barrier barrier_id(%barrier3A_50)
    %mul3A_51 = arith.constant 65536 : i32
    %mul3A_52 = arith.muli %arg1, %mul3A_51 : i32
    %add3A_53 = arith.constant 0 : i32
    %add3A_54 = arith.addi %add3A_53, %mul3A_52 : i32
    %eq3A_55 = arith.constant 0 : i32
    %eq3A_56 = arith.cmpi eq, %arg0, %eq3A_55 : i32
    %convert_element_type3A_57 = arith.extui %eq3A_56 : i1 to i32
    %cond3A_58 = arith.constant 0 : i32
    %cond3A_59 = arith.cmpi ne, %convert_element_type3A_57, %cond3A_58 : i32
    scf.if %cond3A_59 {
      "tpu.region"() ({
        %run_scoped3A = tpu.sem_alloc : memref<!tpu.dma_semaphore, #tpu.memory_space<semaphore_mem>>
        %dma_start3A_117 = tpu.memref_slice %arg5[%add3A_54] : memref<2097152xf32, #tpu.memory_space<hbm>> -> memref<65536xf32, #tpu.memory_space<hbm>>
        %dma_start3A_118 = tpu.memref_slice %arg12[%mul3A_52] : memref<1050624xf32, #tpu.memory_space<vmem_shared>> -> memref<65536xf32, #tpu.memory_space<vmem_shared>>
        tpu.enqueue_dma source(%dma_start3A_118 : memref<65536xf32, #tpu.memory_space<vmem_shared>>) target(%dma_start3A_117 : memref<65536xf32, #tpu.memory_space<hbm>>) target_semaphore(%run_scoped3A : memref<!tpu.dma_semaphore, #tpu.memory_space<semaphore_mem>>)
        %dma_wait3A = tpu.memref_slice %arg5[%add3A_54] : memref<2097152xf32, #tpu.memory_space<hbm>> -> memref<65536xf32, #tpu.memory_space<hbm>>
        %dma_wait3A_119 = tpu.memref_slice %arg12[%mul3A_52] : memref<1050624xf32, #tpu.memory_space<vmem_shared>> -> memref<65536xf32, #tpu.memory_space<vmem_shared>>
        tpu.wait_dma2 semaphore(%run_scoped3A : memref<!tpu.dma_semaphore, #tpu.memory_space<semaphore_mem>>) src(%dma_wait3A_119 : memref<65536xf32, #tpu.memory_space<vmem_shared>>) dst(%dma_wait3A : memref<65536xf32, #tpu.memory_space<hbm>>)
        tpu.yield
      }) : () -> ()
    } else {
    }
    %eq3A_60 = arith.constant 1 : i32
    %eq3A_61 = arith.cmpi eq, %arg0, %eq3A_60 : i32
    %convert_element_type3A_62 = arith.extui %eq3A_61 : i1 to i32
    %cond3A_63 = arith.constant 0 : i32
    %cond3A_64 = arith.cmpi ne, %convert_element_type3A_62, %cond3A_63 : i32
    scf.if %cond3A_64 {
      "tpu.region"() ({
        %run_scoped3A = tpu.sem_alloc : memref<!tpu.dma_semaphore, #tpu.memory_space<semaphore_mem>>
        %dma_start3A_117 = tpu.memref_slice %arg6[%add3A_54] : memref<2097152xf32, #tpu.memory_space<hbm>> -> memref<65536xf32, #tpu.memory_space<hbm>>
        %dma_start3A_118 = tpu.memref_slice %arg12[%mul3A_52] : memref<1050624xf32, #tpu.memory_space<vmem_shared>> -> memref<65536xf32, #tpu.memory_space<vmem_shared>>
        tpu.enqueue_dma source(%dma_start3A_118 : memref<65536xf32, #tpu.memory_space<vmem_shared>>) target(%dma_start3A_117 : memref<65536xf32, #tpu.memory_space<hbm>>) target_semaphore(%run_scoped3A : memref<!tpu.dma_semaphore, #tpu.memory_space<semaphore_mem>>)
        %dma_wait3A = tpu.memref_slice %arg6[%add3A_54] : memref<2097152xf32, #tpu.memory_space<hbm>> -> memref<65536xf32, #tpu.memory_space<hbm>>
        %dma_wait3A_119 = tpu.memref_slice %arg12[%mul3A_52] : memref<1050624xf32, #tpu.memory_space<vmem_shared>> -> memref<65536xf32, #tpu.memory_space<vmem_shared>>
        tpu.wait_dma2 semaphore(%run_scoped3A : memref<!tpu.dma_semaphore, #tpu.memory_space<semaphore_mem>>) src(%dma_wait3A_119 : memref<65536xf32, #tpu.memory_space<vmem_shared>>) dst(%dma_wait3A : memref<65536xf32, #tpu.memory_space<hbm>>)
        tpu.yield
      }) : () -> ()
    } else {
    }
    %mul3A_65 = arith.constant 262144 : i32
    %mul3A_66 = arith.muli %arg1, %mul3A_65 : i32
    %add3A_67 = arith.constant 0 : i32
    %add3A_68 = arith.addi %mul3A_66, %add3A_67 : i32
    %dma_start3A_69 = tpu.memref_slice %arg3[%add3A_68] : memref<4194304xi32, #tpu.memory_space<hbm>> -> memref<8192xi32, #tpu.memory_space<hbm>>
    %dma_start3A_70 = tpu.memref_slice %arg3[%add3A_68] : memref<4194304xi32, #tpu.memory_space<hbm>> -> memref<8192xi32, #tpu.memory_space<hbm>>
    tpu.enqueue_dma source(%dma_start3A_70 : memref<8192xi32, #tpu.memory_space<hbm>>) target(%arg7 : memref<8192xi32, #tpu.memory_space<vmem>>) target_semaphore(%arg13 : memref<!tpu.dma_semaphore, #tpu.memory_space<semaphore_mem>>)
    %eq3A_71 = arith.constant 1 : i32
    %eq3A_72 = arith.cmpi eq, %arg0, %eq3A_71 : i32
    %convert_element_type3A_73 = arith.extui %eq3A_72 : i1 to i32
    %cond3A_74 = arith.constant 0 : i32
    %cond3A_75 = arith.cmpi ne, %convert_element_type3A_73, %cond3A_74 : i32
    scf.if %cond3A_75 {
      %dma_start3A_117 = tpu.memref_slice %arg4[%add3A_68] : memref<4194304xf32, #tpu.memory_space<hbm>> -> memref<8192xf32, #tpu.memory_space<hbm>>
      %dma_start3A_118 = tpu.memref_slice %arg4[%add3A_68] : memref<4194304xf32, #tpu.memory_space<hbm>> -> memref<8192xf32, #tpu.memory_space<hbm>>
      tpu.enqueue_dma source(%dma_start3A_118 : memref<8192xf32, #tpu.memory_space<hbm>>) target(%arg9 : memref<8192xf32, #tpu.memory_space<vmem>>) target_semaphore(%arg15 : memref<!tpu.dma_semaphore, #tpu.memory_space<semaphore_mem>>)
    } else {
    }
    %mul3A_76 = arith.constant 262144 : i32
    %mul3A_77 = arith.muli %arg1, %mul3A_76 : i32
    %add3A_78 = arith.constant 8192 : i32
    %add3A_79 = arith.addi %mul3A_77, %add3A_78 : i32
    %dma_start3A_80 = tpu.memref_slice %arg3[%add3A_79] : memref<4194304xi32, #tpu.memory_space<hbm>> -> memref<8192xi32, #tpu.memory_space<hbm>>
    %dma_start3A_81 = tpu.memref_slice %arg3[%add3A_79] : memref<4194304xi32, #tpu.memory_space<hbm>> -> memref<8192xi32, #tpu.memory_space<hbm>>
    tpu.enqueue_dma source(%dma_start3A_81 : memref<8192xi32, #tpu.memory_space<hbm>>) target(%arg8 : memref<8192xi32, #tpu.memory_space<vmem>>) target_semaphore(%arg14 : memref<!tpu.dma_semaphore, #tpu.memory_space<semaphore_mem>>)
    %eq3A_82 = arith.constant 1 : i32
    %eq3A_83 = arith.cmpi eq, %arg0, %eq3A_82 : i32
    %convert_element_type3A_84 = arith.extui %eq3A_83 : i1 to i32
    %cond3A_85 = arith.constant 0 : i32
    %cond3A_86 = arith.cmpi ne, %convert_element_type3A_84, %cond3A_85 : i32
    scf.if %cond3A_86 {
      %dma_start3A_117 = tpu.memref_slice %arg4[%add3A_79] : memref<4194304xf32, #tpu.memory_space<hbm>> -> memref<8192xf32, #tpu.memory_space<hbm>>
      %dma_start3A_118 = tpu.memref_slice %arg4[%add3A_79] : memref<4194304xf32, #tpu.memory_space<hbm>> -> memref<8192xf32, #tpu.memory_space<hbm>>
      tpu.enqueue_dma source(%dma_start3A_118 : memref<8192xf32, #tpu.memory_space<hbm>>) target(%arg10 : memref<8192xf32, #tpu.memory_space<vmem>>) target_semaphore(%arg16 : memref<!tpu.dma_semaphore, #tpu.memory_space<semaphore_mem>>)
    } else {
    }
    %scan3A_87 = arith.constant 0 : i32
    %scan3A_88 = arith.constant 0 : i32
    %scan3A_89 = arith.constant 8 : i32
    %scan3A_90 = arith.addi %scan3A_88, %scan3A_89 : i32
    %scan3A_91 = arith.constant 1 : i32
    %scan3A_92 = scf.for %scan3A_117 = %scan3A_88 to %scan3A_90 step %scan3A_91 iter_args(%scan3A_118 = %scan3A_87) -> (i32)  : i32 {
      %mul3A_119 = arith.constant 65536 : i32
      %mul3A_120 = arith.muli %arg1, %mul3A_119 : i32
      %mul3A_121 = arith.constant 8192 : i32
      %mul3A_122 = arith.muli %scan3A_117, %mul3A_121 : i32
      %add3A_123 = arith.addi %mul3A_120, %mul3A_122 : i32
      "tpu.region"() ({
        %run_scoped3A = tpu.sem_alloc : memref<!tpu.dma_semaphore, #tpu.memory_space<semaphore_mem>>
        %dma_start3A_125 = tpu.memref_slice %arg12[%add3A_123] : memref<1050624xf32, #tpu.memory_space<vmem_shared>> -> memref<8192xf32, #tpu.memory_space<vmem_shared>>
        %dma_start3A_126 = tpu.memref_slice %arg12[%add3A_123] : memref<1050624xf32, #tpu.memory_space<vmem_shared>> -> memref<8192xf32, #tpu.memory_space<vmem_shared>>
        tpu.enqueue_dma source(%arg11 : memref<8192xf32, #tpu.memory_space<vmem>>) target(%dma_start3A_126 : memref<8192xf32, #tpu.memory_space<vmem_shared>>) target_semaphore(%run_scoped3A : memref<!tpu.dma_semaphore, #tpu.memory_space<semaphore_mem>>)
        %dma_wait3A = tpu.memref_slice %arg12[%add3A_123] : memref<1050624xf32, #tpu.memory_space<vmem_shared>> -> memref<8192xf32, #tpu.memory_space<vmem_shared>>
        %dma_wait3A_127 = tpu.memref_slice %arg12[%add3A_123] : memref<1050624xf32, #tpu.memory_space<vmem_shared>> -> memref<8192xf32, #tpu.memory_space<vmem_shared>>
        tpu.wait_dma2 semaphore(%run_scoped3A : memref<!tpu.dma_semaphore, #tpu.memory_space<semaphore_mem>>) src(%arg11 : memref<8192xf32, #tpu.memory_space<vmem>>) dst(%dma_wait3A_127 : memref<8192xf32, #tpu.memory_space<vmem_shared>>)
        tpu.yield
      }) : () -> ()
      %scan3A_124 = arith.constant 0 : i32
      scf.yield %scan3A_124 : i32
    }
    %scan3A_93 = arith.constant 8 : i32
    %barrier3A_94 = arith.constant 0 : index
    tpu.barrier barrier_id(%barrier3A_94)
    %scan3A_95 = arith.constant 0 : i32
    %scan3A_96 = arith.constant 0 : i32
    %scan3A_97 = arith.constant 16 : i32
    %scan3A_98 = arith.addi %scan3A_96, %scan3A_97 : i32
    %scan3A_99 = arith.constant 1 : i32
    %scan3A_100 = scf.for %scan3A_117 = %scan3A_96 to %scan3A_98 step %scan3A_99 iter_args(%scan3A_118 = %scan3A_95) -> (i32)  : i32 {
      %mul3A_119 = arith.constant 2 : i32
      %mul3A_120 = arith.muli %mul3A_119, %scan3A_117 : i32
      %add3A_121 = arith.constant 0 : i32
      %add3A_122 = arith.addi %mul3A_120, %add3A_121 : i32
      %dma_wait3A = arith.constant 0 : i32
      %dma_wait3A_123 = tpu.memref_slice %arg2[%dma_wait3A] : memref<4194304xi32, #tpu.memory_space<hbm>> -> memref<8192xi32, #tpu.memory_space<hbm>>
      %dma_wait3A_124 = arith.constant 0 : i32
      %dma_wait3A_125 = tpu.memref_slice %arg2[%dma_wait3A_124] : memref<4194304xi32, #tpu.memory_space<hbm>> -> memref<8192xi32, #tpu.memory_space<hbm>>
      tpu.wait_dma2 semaphore(%arg13 : memref<!tpu.dma_semaphore, #tpu.memory_space<semaphore_mem>>) src(%dma_wait3A_125 : memref<8192xi32, #tpu.memory_space<hbm>>) dst(%arg7 : memref<8192xi32, #tpu.memory_space<vmem>>)
      %eq3A_126 = arith.constant 1 : i32
      %eq3A_127 = arith.cmpi eq, %arg0, %eq3A_126 : i32
      %convert_element_type3A_128 = arith.extui %eq3A_127 : i1 to i32
      %cond3A_129 = arith.constant 0 : i32
      %cond3A_130 = arith.cmpi ne, %convert_element_type3A_128, %cond3A_129 : i32
      scf.if %cond3A_130 {
        %dma_wait3A_158 = arith.constant 0 : i32
        %dma_wait3A_159 = tpu.memref_slice %arg4[%dma_wait3A_158] : memref<4194304xf32, #tpu.memory_space<hbm>> -> memref<8192xf32, #tpu.memory_space<hbm>>
        %dma_wait3A_160 = arith.constant 0 : i32
        %dma_wait3A_161 = tpu.memref_slice %arg4[%dma_wait3A_160] : memref<4194304xf32, #tpu.memory_space<hbm>> -> memref<8192xf32, #tpu.memory_space<hbm>>
        tpu.wait_dma2 semaphore(%arg15 : memref<!tpu.dma_semaphore, #tpu.memory_space<semaphore_mem>>) src(%dma_wait3A_161 : memref<8192xf32, #tpu.memory_space<hbm>>) dst(%arg9 : memref<8192xf32, #tpu.memory_space<vmem>>)
      } else {
      }
      "tpu.region"() ({
        %run_scoped3A = tpu.sem_alloc : memref<!tpu.dma_semaphore, #tpu.memory_space<semaphore_mem>>
        %dma_start3A_158 = arith.constant 0 : i32
        %dma_start3A_159 = tpu.memref_slice %arg12[%dma_start3A_158] : memref<1050624xf32, #tpu.memory_space<vmem_shared>> -> memref<1050624xf32, #tpu.memory_space<vmem_shared>>
        tpu.enqueue_indirect_dma source(%arg9 : memref<8192xf32, #tpu.memory_space<vmem>>) target(%dma_start3A_159 : memref<1050624xf32, #tpu.memory_space<vmem_shared>>) offsets(%arg7 : memref<8192xi32, #tpu.memory_space<vmem>>) semaphore(%run_scoped3A : memref<!tpu.dma_semaphore, #tpu.memory_space<semaphore_mem>>) {add = true}
        %dma_wait3A_160 = arith.constant 0 : i32
        %dma_wait3A_161 = tpu.memref_slice %arg12[%dma_wait3A_160] : memref<1050624xf32, #tpu.memory_space<vmem_shared>> -> memref<1050624xf32, #tpu.memory_space<vmem_shared>>
        tpu.wait_indirect_dma semaphore(%run_scoped3A : memref<!tpu.dma_semaphore, #tpu.memory_space<semaphore_mem>>) src(%arg9 : memref<8192xf32, #tpu.memory_space<vmem>>) dst(%dma_wait3A_161 : memref<1050624xf32, #tpu.memory_space<vmem_shared>>)
        tpu.yield
      }) : () -> ()
      %add3A_131 = arith.constant 2 : i32
      %add3A_132 = arith.addi %add3A_122, %add3A_131 : i32
      %lt3A = arith.constant 32 : i32
      %lt3A_133 = arith.cmpi slt, %add3A_132, %lt3A : i32
      %convert_element_type3A_134 = arith.extui %lt3A_133 : i1 to i32
      %cond3A_135 = arith.constant 0 : i32
      %cond3A_136 = arith.cmpi ne, %convert_element_type3A_134, %cond3A_135 : i32
      scf.if %cond3A_136 {
        %add3A_158 = arith.constant 2 : i32
        %add3A_159 = arith.addi %add3A_122, %add3A_158 : i32
        %mul3A_160 = arith.constant 262144 : i32
        %mul3A_161 = arith.muli %arg1, %mul3A_160 : i32
        %mul3A_162 = arith.constant 8192 : i32
        %mul3A_163 = arith.muli %add3A_159, %mul3A_162 : i32
        %add3A_164 = arith.addi %mul3A_161, %mul3A_163 : i32
        %dma_start3A_165 = tpu.memref_slice %arg3[%add3A_164] : memref<4194304xi32, #tpu.memory_space<hbm>> -> memref<8192xi32, #tpu.memory_space<hbm>>
        %dma_start3A_166 = tpu.memref_slice %arg3[%add3A_164] : memref<4194304xi32, #tpu.memory_space<hbm>> -> memref<8192xi32, #tpu.memory_space<hbm>>
        tpu.enqueue_dma source(%dma_start3A_166 : memref<8192xi32, #tpu.memory_space<hbm>>) target(%arg7 : memref<8192xi32, #tpu.memory_space<vmem>>) target_semaphore(%arg13 : memref<!tpu.dma_semaphore, #tpu.memory_space<semaphore_mem>>)
        %eq3A_167 = arith.constant 1 : i32
        %eq3A_168 = arith.cmpi eq, %arg0, %eq3A_167 : i32
        %convert_element_type3A_169 = arith.extui %eq3A_168 : i1 to i32
        %cond3A_170 = arith.constant 0 : i32
        %cond3A_171 = arith.cmpi ne, %convert_element_type3A_169, %cond3A_170 : i32
        scf.if %cond3A_171 {
          %dma_start3A_172 = tpu.memref_slice %arg4[%add3A_164] : memref<4194304xf32, #tpu.memory_space<hbm>> -> memref<8192xf32, #tpu.memory_space<hbm>>
          %dma_start3A_173 = tpu.memref_slice %arg4[%add3A_164] : memref<4194304xf32, #tpu.memory_space<hbm>> -> memref<8192xf32, #tpu.memory_space<hbm>>
          tpu.enqueue_dma source(%dma_start3A_173 : memref<8192xf32, #tpu.memory_space<hbm>>) target(%arg9 : memref<8192xf32, #tpu.memory_space<vmem>>) target_semaphore(%arg15 : memref<!tpu.dma_semaphore, #tpu.memory_space<semaphore_mem>>)
        } else {
        }
      } else {
      }
      %mul3A_137 = arith.constant 2 : i32
      %mul3A_138 = arith.muli %mul3A_137, %scan3A_117 : i32
      %add3A_139 = arith.constant 1 : i32
      %add3A_140 = arith.addi %mul3A_138, %add3A_139 : i32
      %dma_wait3A_141 = arith.constant 0 : i32
      %dma_wait3A_142 = tpu.memref_slice %arg2[%dma_wait3A_141] : memref<4194304xi32, #tpu.memory_space<hbm>> -> memref<8192xi32, #tpu.memory_space<hbm>>
      %dma_wait3A_143 = arith.constant 0 : i32
      %dma_wait3A_144 = tpu.memref_slice %arg2[%dma_wait3A_143] : memref<4194304xi32, #tpu.memory_space<hbm>> -> memref<8192xi32, #tpu.memory_space<hbm>>
      tpu.wait_dma2 semaphore(%arg14 : memref<!tpu.dma_semaphore, #tpu.memory_space<semaphore_mem>>) src(%dma_wait3A_144 : memref<8192xi32, #tpu.memory_space<hbm>>) dst(%arg8 : memref<8192xi32, #tpu.memory_space<vmem>>)
      %eq3A_145 = arith.constant 1 : i32
      %eq3A_146 = arith.cmpi eq, %arg0, %eq3A_145 : i32
      %convert_element_type3A_147 = arith.extui %eq3A_146 : i1 to i32
      %cond3A_148 = arith.constant 0 : i32
      %cond3A_149 = arith.cmpi ne, %convert_element_type3A_147, %cond3A_148 : i32
      scf.if %cond3A_149 {
        %dma_wait3A_158 = arith.constant 0 : i32
        %dma_wait3A_159 = tpu.memref_slice %arg4[%dma_wait3A_158] : memref<4194304xf32, #tpu.memory_space<hbm>> -> memref<8192xf32, #tpu.memory_space<hbm>>
        %dma_wait3A_160 = arith.constant 0 : i32
        %dma_wait3A_161 = tpu.memref_slice %arg4[%dma_wait3A_160] : memref<4194304xf32, #tpu.memory_space<hbm>> -> memref<8192xf32, #tpu.memory_space<hbm>>
        tpu.wait_dma2 semaphore(%arg16 : memref<!tpu.dma_semaphore, #tpu.memory_space<semaphore_mem>>) src(%dma_wait3A_161 : memref<8192xf32, #tpu.memory_space<hbm>>) dst(%arg10 : memref<8192xf32, #tpu.memory_space<vmem>>)
      } else {
      }
      "tpu.region"() ({
        %run_scoped3A = tpu.sem_alloc : memref<!tpu.dma_semaphore, #tpu.memory_space<semaphore_mem>>
        %dma_start3A_158 = arith.constant 0 : i32
        %dma_start3A_159 = tpu.memref_slice %arg12[%dma_start3A_158] : memref<1050624xf32, #tpu.memory_space<vmem_shared>> -> memref<1050624xf32, #tpu.memory_space<vmem_shared>>
        tpu.enqueue_indirect_dma source(%arg10 : memref<8192xf32, #tpu.memory_space<vmem>>) target(%dma_start3A_159 : memref<1050624xf32, #tpu.memory_space<vmem_shared>>) offsets(%arg8 : memref<8192xi32, #tpu.memory_space<vmem>>) semaphore(%run_scoped3A : memref<!tpu.dma_semaphore, #tpu.memory_space<semaphore_mem>>) {add = true}
        %dma_wait3A_160 = arith.constant 0 : i32
        %dma_wait3A_161 = tpu.memref_slice %arg12[%dma_wait3A_160] : memref<1050624xf32, #tpu.memory_space<vmem_shared>> -> memref<1050624xf32, #tpu.memory_space<vmem_shared>>
        tpu.wait_indirect_dma semaphore(%run_scoped3A : memref<!tpu.dma_semaphore, #tpu.memory_space<semaphore_mem>>) src(%arg10 : memref<8192xf32, #tpu.memory_space<vmem>>) dst(%dma_wait3A_161 : memref<1050624xf32, #tpu.memory_space<vmem_shared>>)
        tpu.yield
      }) : () -> ()
      %add3A_150 = arith.constant 2 : i32
      %add3A_151 = arith.addi %add3A_140, %add3A_150 : i32
      %lt3A_152 = arith.constant 32 : i32
      %lt3A_153 = arith.cmpi slt, %add3A_151, %lt3A_152 : i32
      %convert_element_type3A_154 = arith.extui %lt3A_153 : i1 to i32
      %cond3A_155 = arith.constant 0 : i32
      %cond3A_156 = arith.cmpi ne, %convert_element_type3A_154, %cond3A_155 : i32
      scf.if %cond3A_156 {
        %add3A_158 = arith.constant 2 : i32
        %add3A_159 = arith.addi %add3A_140, %add3A_158 : i32
        %mul3A_160 = arith.constant 262144 : i32
        %mul3A_161 = arith.muli %arg1, %mul3A_160 : i32
        %mul3A_162 = arith.constant 8192 : i32
        %mul3A_163 = arith.muli %add3A_159, %mul3A_162 : i32
        %add3A_164 = arith.addi %mul3A_161, %mul3A_163 : i32
        %dma_start3A_165 = tpu.memref_slice %arg3[%add3A_164] : memref<4194304xi32, #tpu.memory_space<hbm>> -> memref<8192xi32, #tpu.memory_space<hbm>>
        %dma_start3A_166 = tpu.memref_slice %arg3[%add3A_164] : memref<4194304xi32, #tpu.memory_space<hbm>> -> memref<8192xi32, #tpu.memory_space<hbm>>
        tpu.enqueue_dma source(%dma_start3A_166 : memref<8192xi32, #tpu.memory_space<hbm>>) target(%arg8 : memref<8192xi32, #tpu.memory_space<vmem>>) target_semaphore(%arg14 : memref<!tpu.dma_semaphore, #tpu.memory_space<semaphore_mem>>)
        %eq3A_167 = arith.constant 1 : i32
        %eq3A_168 = arith.cmpi eq, %arg0, %eq3A_167 : i32
        %convert_element_type3A_169 = arith.extui %eq3A_168 : i1 to i32
        %cond3A_170 = arith.constant 0 : i32
        %cond3A_171 = arith.cmpi ne, %convert_element_type3A_169, %cond3A_170 : i32
        scf.if %cond3A_171 {
          %dma_start3A_172 = tpu.memref_slice %arg4[%add3A_164] : memref<4194304xf32, #tpu.memory_space<hbm>> -> memref<8192xf32, #tpu.memory_space<hbm>>
          %dma_start3A_173 = tpu.memref_slice %arg4[%add3A_164] : memref<4194304xf32, #tpu.memory_space<hbm>> -> memref<8192xf32, #tpu.memory_space<hbm>>
          tpu.enqueue_dma source(%dma_start3A_173 : memref<8192xf32, #tpu.memory_space<hbm>>) target(%arg10 : memref<8192xf32, #tpu.memory_space<vmem>>) target_semaphore(%arg16 : memref<!tpu.dma_semaphore, #tpu.memory_space<semaphore_mem>>)
        } else {
        }
      } else {
      }
      %scan3A_157 = arith.constant 0 : i32
      scf.yield %scan3A_157 : i32
    }
    %scan3A_101 = arith.constant 16 : i32
    %barrier3A_102 = arith.constant 0 : index
    tpu.barrier barrier_id(%barrier3A_102)
    %mul3A_103 = arith.constant 65536 : i32
    %mul3A_104 = arith.muli %arg1, %mul3A_103 : i32
    %add3A_105 = arith.constant 1048576 : i32
    %add3A_106 = arith.addi %add3A_105, %mul3A_104 : i32
    %eq3A_107 = arith.constant 0 : i32
    %eq3A_108 = arith.cmpi eq, %arg0, %eq3A_107 : i32
    %convert_element_type3A_109 = arith.extui %eq3A_108 : i1 to i32
    %cond3A_110 = arith.constant 0 : i32
    %cond3A_111 = arith.cmpi ne, %convert_element_type3A_109, %cond3A_110 : i32
    scf.if %cond3A_111 {
      "tpu.region"() ({
        %run_scoped3A = tpu.sem_alloc : memref<!tpu.dma_semaphore, #tpu.memory_space<semaphore_mem>>
        %dma_start3A_117 = tpu.memref_slice %arg5[%add3A_106] : memref<2097152xf32, #tpu.memory_space<hbm>> -> memref<65536xf32, #tpu.memory_space<hbm>>
        %dma_start3A_118 = tpu.memref_slice %arg12[%mul3A_104] : memref<1050624xf32, #tpu.memory_space<vmem_shared>> -> memref<65536xf32, #tpu.memory_space<vmem_shared>>
        tpu.enqueue_dma source(%dma_start3A_118 : memref<65536xf32, #tpu.memory_space<vmem_shared>>) target(%dma_start3A_117 : memref<65536xf32, #tpu.memory_space<hbm>>) target_semaphore(%run_scoped3A : memref<!tpu.dma_semaphore, #tpu.memory_space<semaphore_mem>>)
        %dma_wait3A = tpu.memref_slice %arg5[%add3A_106] : memref<2097152xf32, #tpu.memory_space<hbm>> -> memref<65536xf32, #tpu.memory_space<hbm>>
        %dma_wait3A_119 = tpu.memref_slice %arg12[%mul3A_104] : memref<1050624xf32, #tpu.memory_space<vmem_shared>> -> memref<65536xf32, #tpu.memory_space<vmem_shared>>
        tpu.wait_dma2 semaphore(%run_scoped3A : memref<!tpu.dma_semaphore, #tpu.memory_space<semaphore_mem>>) src(%dma_wait3A_119 : memref<65536xf32, #tpu.memory_space<vmem_shared>>) dst(%dma_wait3A : memref<65536xf32, #tpu.memory_space<hbm>>)
        tpu.yield
      }) : () -> ()
    } else {
    }
    %eq3A_112 = arith.constant 1 : i32
    %eq3A_113 = arith.cmpi eq, %arg0, %eq3A_112 : i32
    %convert_element_type3A_114 = arith.extui %eq3A_113 : i1 to i32
    %cond3A_115 = arith.constant 0 : i32
    %cond3A_116 = arith.cmpi ne, %convert_element_type3A_114, %cond3A_115 : i32
    scf.if %cond3A_116 {
      "tpu.region"() ({
        %run_scoped3A = tpu.sem_alloc : memref<!tpu.dma_semaphore, #tpu.memory_space<semaphore_mem>>
        %dma_start3A_117 = tpu.memref_slice %arg6[%add3A_106] : memref<2097152xf32, #tpu.memory_space<hbm>> -> memref<65536xf32, #tpu.memory_space<hbm>>
        %dma_start3A_118 = tpu.memref_slice %arg12[%mul3A_104] : memref<1050624xf32, #tpu.memory_space<vmem_shared>> -> memref<65536xf32, #tpu.memory_space<vmem_shared>>
        tpu.enqueue_dma source(%dma_start3A_118 : memref<65536xf32, #tpu.memory_space<vmem_shared>>) target(%dma_start3A_117 : memref<65536xf32, #tpu.memory_space<hbm>>) target_semaphore(%run_scoped3A : memref<!tpu.dma_semaphore, #tpu.memory_space<semaphore_mem>>)
        %dma_wait3A = tpu.memref_slice %arg6[%add3A_106] : memref<2097152xf32, #tpu.memory_space<hbm>> -> memref<65536xf32, #tpu.memory_space<hbm>>
        %dma_wait3A_119 = tpu.memref_slice %arg12[%mul3A_104] : memref<1050624xf32, #tpu.memory_space<vmem_shared>> -> memref<65536xf32, #tpu.memory_space<vmem_shared>>
        tpu.wait_dma2 semaphore(%run_scoped3A : memref<!tpu.dma_semaphore, #tpu.memory_space<semaphore_mem>>) src(%dma_wait3A_119 : memref<65536xf32, #tpu.memory_space<vmem_shared>>) dst(%dma_wait3A : memref<65536xf32, #tpu.memory_space<hbm>>)
        tpu.yield
      }) : () -> ()
    } else {
    }
    return
  }
}

module attributes {stable_mosaic.version = 14 : i64} {
  func.func @_idx_body(%arg0: i32, %arg1: memref<2048x128xi32, #tpu.memory_space<vmem>>, %arg2: memref<2048x128xi32, #tpu.memory_space<vmem>>, %arg3: memref<2048x128xi32, #tpu.memory_space<vmem>>, %arg4: memref<2048x128xf32, #tpu.memory_space<vmem>>, %arg5: memref<1x2048x128xi32, #tpu.memory_space<vmem>>, %arg6: memref<1x2048x128xi32, #tpu.memory_space<vmem>>, %arg7: memref<1x2048x128xf32, #tpu.memory_space<vmem>>) attributes {dimension_semantics = [#tpu.dimension_semantics<arbitrary>], iteration_bounds = array<i64: 16>, scalar_prefetch = 0 : i64, scratch_operands = 0 : i64, tpu.core_type = #tpu.core_type<tc>, window_params = [{transform_indices = @transform_0, window_bounds = array<i64: 2048, 128>}, {transform_indices = @transform_1, window_bounds = array<i64: 2048, 128>}, {transform_indices = @transform_2, window_bounds = array<i64: 2048, 128>}, {transform_indices = @transform_3, window_bounds = array<i64: 2048, 128>}, {transform_indices = @transform_4, window_bounds = array<i64: 1, 2048, 128>}, {transform_indices = @transform_5, window_bounds = array<i64: 1, 2048, 128>}, {transform_indices = @transform_6, window_bounds = array<i64: 1, 2048, 128>}]} {
    %get3A = arith.constant 0 : index
    %get3A_0 = arith.constant 0 : index
    %get3A_1 = vector.load %arg1[%get3A, %get3A_0] : memref<2048x128xi32, #tpu.memory_space<vmem>>, vector<2048x128xi32>
    %shift_right_arithmetic3A = arith.constant 1 : i32
    %shift_right_arithmetic3A_2 = vector.broadcast %shift_right_arithmetic3A : i32 to vector<2048x128xi32>
    %shift_right_arithmetic3A_3 = arith.shrsi %get3A_1, %shift_right_arithmetic3A_2 : vector<2048x128xi32>
    %get3A_4 = arith.constant 0 : index
    %get3A_5 = arith.constant 0 : index
    %get3A_6 = vector.load %arg2[%get3A_4, %get3A_5] : memref<2048x128xi32, #tpu.memory_space<vmem>>, vector<2048x128xi32>
    %shift_right_arithmetic3A_7 = arith.constant 1 : i32
    %shift_right_arithmetic3A_8 = vector.broadcast %shift_right_arithmetic3A_7 : i32 to vector<2048x128xi32>
    %shift_right_arithmetic3A_9 = arith.shrsi %get3A_6, %shift_right_arithmetic3A_8 : vector<2048x128xi32>
    %get3A_10 = arith.constant 0 : index
    %get3A_11 = arith.constant 0 : index
    %get3A_12 = vector.load %arg3[%get3A_10, %get3A_11] : memref<2048x128xi32, #tpu.memory_space<vmem>>, vector<2048x128xi32>
    %shift_right_arithmetic3A_13 = arith.constant 1 : i32
    %shift_right_arithmetic3A_14 = vector.broadcast %shift_right_arithmetic3A_13 : i32 to vector<2048x128xi32>
    %shift_right_arithmetic3A_15 = arith.shrsi %get3A_12, %shift_right_arithmetic3A_14 : vector<2048x128xi32>
    %shift_left3A = arith.constant 14 : i32
    %shift_left3A_16 = vector.broadcast %shift_left3A : i32 to vector<2048x128xi32>
    %shift_left3A_17 = arith.shli %shift_right_arithmetic3A_3, %shift_left3A_16 : vector<2048x128xi32>
    %shift_left3A_18 = arith.constant 7 : i32
    %shift_left3A_19 = vector.broadcast %shift_left3A_18 : i32 to vector<2048x128xi32>
    %shift_left3A_20 = arith.shli %shift_right_arithmetic3A_9, %shift_left3A_19 : vector<2048x128xi32>
    %or3A = arith.ori %shift_left3A_17, %shift_left3A_20 : vector<2048x128xi32>
    %or3A_21 = arith.ori %or3A, %shift_right_arithmetic3A_15 : vector<2048x128xi32>
    %iota3A = tpu.iota {dimensions = array<i32: 1>} : vector<2048x128xi32>
    %and3A = arith.constant 2047 : i32
    %and3A_22 = vector.broadcast %and3A : i32 to vector<2048x128xi32>
    %and3A_23 = arith.andi %iota3A, %and3A_22 : vector<2048x128xi32>
    %add3A = arith.constant 1048576 : i32
    %add3A_24 = vector.broadcast %add3A : i32 to vector<2048x128xi32>
    %add3A_25 = arith.addi %add3A_24, %and3A_23 : vector<2048x128xi32>
    %lt3A = arith.constant 1048576 : i32
    %lt3A_26 = vector.broadcast %lt3A : i32 to vector<2048x128xi32>
    %lt3A_27 = arith.cmpi slt, %or3A_21, %lt3A_26 : vector<2048x128xi32>
    %select_n3A = arith.select %lt3A_27, %or3A_21, %add3A_25 : vector<2048x128xi1>, vector<2048x128xi32>
    %swap3A = arith.constant 0 : index
    %swap3A_28 = arith.constant 0 : index
    %swap3A_29 = arith.constant 0 : index
    %swap3A_30 = vector.load %arg5[%swap3A, %swap3A_28, %swap3A_29] : memref<1x2048x128xi32, #tpu.memory_space<vmem>>, vector<1x2048x128xi32>
    %swap3A_31 = vector.shape_cast %swap3A_30 : vector<1x2048x128xi32> to vector<2048x128xi32>
    %swap3A_32 = vector.shape_cast %select_n3A : vector<2048x128xi32> to vector<1x2048x128xi32>
    tpu.vector_store %arg5[%swap3A, %swap3A_28, %swap3A_29], %swap3A_32 {strides = array<i32>} : memref<1x2048x128xi32, #tpu.memory_space<vmem>>, vector<1x2048x128xi32>,
    %sub3A = arith.constant 1048576 : i32
    %sub3A_33 = vector.broadcast %sub3A : i32 to vector<2048x128xi32>
    %sub3A_34 = arith.subi %or3A_21, %sub3A_33 : vector<2048x128xi32>
    %select_n3A_35 = arith.select %lt3A_27, %add3A_25, %sub3A_34 : vector<2048x128xi1>, vector<2048x128xi32>
    %swap3A_36 = arith.constant 0 : index
    %swap3A_37 = arith.constant 0 : index
    %swap3A_38 = arith.constant 0 : index
    %swap3A_39 = vector.load %arg6[%swap3A_36, %swap3A_37, %swap3A_38] : memref<1x2048x128xi32, #tpu.memory_space<vmem>>, vector<1x2048x128xi32>
    %swap3A_40 = vector.shape_cast %swap3A_39 : vector<1x2048x128xi32> to vector<2048x128xi32>
    %swap3A_41 = vector.shape_cast %select_n3A_35 : vector<2048x128xi32> to vector<1x2048x128xi32>
    tpu.vector_store %arg6[%swap3A_36, %swap3A_37, %swap3A_38], %swap3A_41 {strides = array<i32>} : memref<1x2048x128xi32, #tpu.memory_space<vmem>>, vector<1x2048x128xi32>,
    %get3A_42 = arith.constant 0 : index
    %get3A_43 = arith.constant 0 : index
    %get3A_44 = vector.load %arg4[%get3A_42, %get3A_43] : memref<2048x128xf32, #tpu.memory_space<vmem>>, vector<2048x128xf32>
    %swap3A_45 = arith.constant 0 : index
    %swap3A_46 = arith.constant 0 : index
    %swap3A_47 = arith.constant 0 : index
    %swap3A_48 = vector.load %arg7[%swap3A_45, %swap3A_46, %swap3A_47] : memref<1x2048x128xf32, #tpu.memory_space<vmem>>, vector<1x2048x128xf32>
    %swap3A_49 = vector.shape_cast %swap3A_48 : vector<1x2048x128xf32> to vector<2048x128xf32>
    %swap3A_50 = vector.shape_cast %get3A_44 : vector<2048x128xf32> to vector<1x2048x128xf32>
    tpu.vector_store %arg7[%swap3A_45, %swap3A_46, %swap3A_47], %swap3A_50 {strides = array<i32>} : memref<1x2048x128xf32, #tpu.memory_space<vmem>>, vector<1x2048x128xf32>,
    return
  }
  func.func @transform_0(%arg0: i32) -> (i32, i32) {
    %c0_i32 = arith.constant 0 : i32
    %c0_i32_0 = arith.constant 0 : i32
    return %c0_i32, %arg0 : i32, i32
  }
  func.func @transform_1(%arg0: i32) -> (i32, i32) {
    %c0_i32 = arith.constant 0 : i32
    %c0_i32_0 = arith.constant 0 : i32
    return %c0_i32, %arg0 : i32, i32
  }
  func.func @transform_2(%arg0: i32) -> (i32, i32) {
    %c0_i32 = arith.constant 0 : i32
    %c0_i32_0 = arith.constant 0 : i32
    return %c0_i32, %arg0 : i32, i32
  }
  func.func @transform_3(%arg0: i32) -> (i32, i32) {
    %c0_i32 = arith.constant 0 : i32
    %c0_i32_0 = arith.constant 0 : i32
    return %c0_i32, %arg0 : i32, i32
  }
  func.func @transform_4(%arg0: i32) -> (i32, i32, i32) {
    %c0_i32 = arith.constant 0 : i32
    %c0_i32_0 = arith.constant 0 : i32
    %c0_i32_1 = arith.constant 0 : i32
    return %arg0, %c0_i32, %c0_i32_0 : i32, i32, i32
  }
  func.func @transform_5(%arg0: i32) -> (i32, i32, i32) {
    %c0_i32 = arith.constant 0 : i32
    %c0_i32_0 = arith.constant 0 : i32
    %c0_i32_1 = arith.constant 0 : i32
    return %arg0, %c0_i32, %c0_i32_0 : i32, i32, i32
  }
  func.func @transform_6(%arg0: i32) -> (i32, i32, i32) {
    %c0_i32 = arith.constant 0 : i32
    %c0_i32_0 = arith.constant 0 : i32
    %c0_i32_1 = arith.constant 0 : i32
    return %arg0, %c0_i32, %c0_i32_0 : i32, i32, i32
  }
}

module attributes {stable_mosaic.version = 14 : i64} {
  func.func @_sums_body(%arg0: i32, %arg1: memref<2048x128xf32, #tpu.memory_space<vmem>>, %arg2: memref<2048x128xf32, #tpu.memory_space<vmem>>, %arg3: memref<2048x128xi32, #tpu.memory_space<vmem>>, %arg4: memref<1x1xf32, #tpu.memory_space<smem>>, %arg5: memref<1x1xf32, #tpu.memory_space<smem>>) attributes {dimension_semantics = [#tpu.dimension_semantics<arbitrary>], iteration_bounds = array<i64: 8>, scalar_prefetch = 0 : i64, scratch_operands = 0 : i64, tpu.core_type = #tpu.core_type<tc>, window_params = [{transform_indices = @transform_0, window_bounds = array<i64: 2048, 128>}, {transform_indices = @transform_1, window_bounds = array<i64: 2048, 128>}, {transform_indices = @transform_2, window_bounds = array<i64: 2048, 128>}, {transform_indices = @transform_3, window_bounds = array<i64: 1, 1>}, {transform_indices = @transform_4, window_bounds = array<i64: 1, 1>}]} {
    %get3A = arith.constant 0 : index
    %get3A_0 = arith.constant 0 : index
    %get3A_1 = vector.load %arg1[%get3A, %get3A_0] : memref<2048x128xf32, #tpu.memory_space<vmem>>, vector<2048x128xf32>
    %get3A_2 = arith.constant 0 : index
    %get3A_3 = arith.constant 0 : index
    %get3A_4 = vector.load %arg2[%get3A_2, %get3A_3] : memref<2048x128xf32, #tpu.memory_space<vmem>>, vector<2048x128xf32>
    %add3A = arith.constant 1.000000e-10 : f32
    %add3A_5 = vector.broadcast %add3A : f32 to vector<2048x128xf32>
    %add3A_6 = arith.addf %get3A_4, %add3A_5 : vector<2048x128xf32>
    %add3A_7 = arith.constant 1.000000e+00 : f32
    %add3A_8 = vector.broadcast %add3A_7 : f32 to vector<2048x128xf32>
    %add3A_9 = arith.addf %get3A_1, %add3A_8 : vector<2048x128xf32>
    %div3A = arith.divf %add3A_6, %add3A_9 : vector<2048x128xf32>
    %log3A = math.log %div3A : vector<2048x128xf32>
    %convert_element_type3A = arith.fptosi %get3A_1 : vector<2048x128xf32> to vector<2048x128xi32>
    %swap3A = arith.constant 0 : index
    %swap3A_10 = arith.constant 0 : index
    %swap3A_11 = vector.load %arg3[%swap3A, %swap3A_10] : memref<2048x128xi32, #tpu.memory_space<vmem>>, vector<2048x128xi32>
    tpu.vector_store %arg3[%swap3A, %swap3A_10], %convert_element_type3A {strides = array<i32>} : memref<2048x128xi32, #tpu.memory_space<vmem>>, vector<2048x128xi32>,
    %eq3A = arith.constant 0 : i32
    %eq3A_12 = arith.cmpi eq, %arg0, %eq3A : i32
    %convert_element_type3A_13 = arith.extui %eq3A_12 : i1 to i32
    %cond3A = arith.constant 0 : i32
    %cond3A_14 = arith.cmpi ne, %convert_element_type3A_13, %cond3A : i32
    scf.if %cond3A_14 {
      %swap3A_38 = arith.constant 0.000000e+00 : f32
      %swap3A_39 = arith.constant 0 : index
      %swap3A_40 = arith.constant 0 : index
      %swap3A_41 = memref.load %arg4[%swap3A_39, %swap3A_40] : memref<1x1xf32, #tpu.memory_space<smem>>
      memref.store %swap3A_38, %arg4[%swap3A_39, %swap3A_40] : memref<1x1xf32, #tpu.memory_space<smem>>
      %swap3A_42 = arith.constant 0.000000e+00 : f32
      %swap3A_43 = arith.constant 0 : index
      %swap3A_44 = arith.constant 0 : index
      %swap3A_45 = memref.load %arg5[%swap3A_43, %swap3A_44] : memref<1x1xf32, #tpu.memory_space<smem>>
      memref.store %swap3A_42, %arg5[%swap3A_43, %swap3A_44] : memref<1x1xf32, #tpu.memory_space<smem>>
    } else {
    }
    %get3A_15 = arith.constant 0 : index
    %get3A_16 = arith.constant 0 : index
    %get3A_17 = memref.load %arg4[%get3A_15, %get3A_16] : memref<1x1xf32, #tpu.memory_space<smem>>
    %reduce_sum3A = vector.shape_cast %add3A_6 : vector<2048x128xf32> to vector<1x2048x128xf32>
    %reduce_sum3A_18 = arith.constant dense<0.000000e+00> : vector<1xf32>
    %reduce_sum3A_19 = vector.multi_reduction <add>, %reduce_sum3A, %reduce_sum3A_18 [1, 2] : vector<1x2048x128xf32> to vector<1xf32>
    %reduce_sum3A_20 = vector.shape_cast %reduce_sum3A_19 : vector<1xf32> to vector<1x1x1xf32>
    %reduce_sum3A_21 = vector.extract %reduce_sum3A_20[0, 0, 0] : f32 from vector<1x1x1xf32>
    %add3A_22 = arith.addf %get3A_17, %reduce_sum3A_21 : f32
    %swap3A_23 = arith.constant 0 : index
    %swap3A_24 = arith.constant 0 : index
    %swap3A_25 = memref.load %arg4[%swap3A_23, %swap3A_24] : memref<1x1xf32, #tpu.memory_space<smem>>
    memref.store %add3A_22, %arg4[%swap3A_23, %swap3A_24] : memref<1x1xf32, #tpu.memory_space<smem>>
    %get3A_26 = arith.constant 0 : index
    %get3A_27 = arith.constant 0 : index
    %get3A_28 = memref.load %arg5[%get3A_26, %get3A_27] : memref<1x1xf32, #tpu.memory_space<smem>>
    %mul3A = arith.mulf %add3A_6, %log3A : vector<2048x128xf32>
    %reduce_sum3A_29 = vector.shape_cast %mul3A : vector<2048x128xf32> to vector<1x2048x128xf32>
    %reduce_sum3A_30 = arith.constant dense<0.000000e+00> : vector<1xf32>
    %reduce_sum3A_31 = vector.multi_reduction <add>, %reduce_sum3A_29, %reduce_sum3A_30 [1, 2] : vector<1x2048x128xf32> to vector<1xf32>
    %reduce_sum3A_32 = vector.shape_cast %reduce_sum3A_31 : vector<1xf32> to vector<1x1x1xf32>
    %reduce_sum3A_33 = vector.extract %reduce_sum3A_32[0, 0, 0] : f32 from vector<1x1x1xf32>
    %add3A_34 = arith.addf %get3A_28, %reduce_sum3A_33 : f32
    %swap3A_35 = arith.constant 0 : index
    %swap3A_36 = arith.constant 0 : index
    %swap3A_37 = memref.load %arg5[%swap3A_35, %swap3A_36] : memref<1x1xf32, #tpu.memory_space<smem>>
    memref.store %add3A_34, %arg5[%swap3A_35, %swap3A_36] : memref<1x1xf32, #tpu.memory_space<smem>>
    return
  }
  func.func @transform_0(%arg0: i32) -> (i32, i32) {
    %c0_i32 = arith.constant 0 : i32
    %c0_i32_0 = arith.constant 0 : i32
    return %arg0, %c0_i32 : i32, i32
  }
  func.func @transform_1(%arg0: i32) -> (i32, i32) {
    %c0_i32 = arith.constant 0 : i32
    %c0_i32_0 = arith.constant 0 : i32
    return %arg0, %c0_i32 : i32, i32
  }
  func.func @transform_2(%arg0: i32) -> (i32, i32) {
    %c0_i32 = arith.constant 0 : i32
    %c0_i32_0 = arith.constant 0 : i32
    return %arg0, %c0_i32 : i32, i32
  }
  func.func @transform_3(%arg0: i32) -> (i32, i32) {
    %c0_i32 = arith.constant 0 : i32
    %c0_i32_0 = arith.constant 0 : i32
    %c0_i32_1 = arith.constant 0 : i32
    return %c0_i32, %c0_i32_0 : i32, i32
  }
  func.func @transform_4(%arg0: i32) -> (i32, i32) {
    %c0_i32 = arith.constant 0 : i32
    %c0_i32_0 = arith.constant 0 : i32
    %c0_i32_1 = arith.constant 0 : i32
    return %c0_i32, %c0_i32_0 : i32, i32
  }
}

module attributes {stable_mosaic.version = 14 : i64} {
  func.func @_filt_body(%arg0: i32, %arg1: memref<2048x128xf32, #tpu.memory_space<vmem>>, %arg2: memref<2048x128xf32, #tpu.memory_space<vmem>>, %arg3: memref<1x1xf32, #tpu.memory_space<smem>>, %arg4: memref<2048x128xi32, #tpu.memory_space<vmem>>) attributes {dimension_semantics = [#tpu.dimension_semantics<arbitrary>], iteration_bounds = array<i64: 8>, scalar_prefetch = 0 : i64, scratch_operands = 0 : i64, tpu.core_type = #tpu.core_type<tc>, window_params = [{transform_indices = @transform_0, window_bounds = array<i64: 2048, 128>}, {transform_indices = @transform_1, window_bounds = array<i64: 2048, 128>}, {transform_indices = @transform_2, window_bounds = array<i64: 1, 1>}, {transform_indices = @transform_3, window_bounds = array<i64: 2048, 128>}]} {
    %get3A = arith.constant 0 : index
    %get3A_0 = arith.constant 0 : index
    %get3A_1 = vector.load %arg2[%get3A, %get3A_0] : memref<2048x128xf32, #tpu.memory_space<vmem>>, vector<2048x128xf32>
    %add3A = arith.constant 1.000000e-10 : f32
    %add3A_2 = vector.broadcast %add3A : f32 to vector<2048x128xf32>
    %add3A_3 = arith.addf %get3A_1, %add3A_2 : vector<2048x128xf32>
    %get3A_4 = arith.constant 0 : index
    %get3A_5 = arith.constant 0 : index
    %get3A_6 = vector.load %arg1[%get3A_4, %get3A_5] : memref<2048x128xf32, #tpu.memory_space<vmem>>, vector<2048x128xf32>
    %add3A_7 = arith.constant 1.000000e+00 : f32
    %add3A_8 = vector.broadcast %add3A_7 : f32 to vector<2048x128xf32>
    %add3A_9 = arith.addf %get3A_6, %add3A_8 : vector<2048x128xf32>
    %div3A = arith.divf %add3A_3, %add3A_9 : vector<2048x128xf32>
    %log3A = math.log %div3A : vector<2048x128xf32>
    %get3A_10 = arith.constant 0 : index
    %get3A_11 = arith.constant 0 : index
    %get3A_12 = memref.load %arg3[%get3A_10, %get3A_11] : memref<1x1xf32, #tpu.memory_space<smem>>
    %gt3A = vector.broadcast %get3A_12 : f32 to vector<2048x128xf32>
    %gt3A_13 = arith.cmpf ogt, %log3A, %gt3A : vector<2048x128xf32>
    %swap3A = arith.constant 0 : index
    %swap3A_14 = arith.constant 0 : index
    %swap3A_15 = vector.load %arg4[%swap3A, %swap3A_14] : memref<2048x128xi32, #tpu.memory_space<vmem>>, vector<2048x128xi32>
    %swap3A_16 = arith.extui %gt3A_13 : vector<2048x128xi1> to vector<2048x128xi32>
    %swap3A_17 = arith.constant dense<0> : vector<2048x128xi32>
    %swap3A_18 = arith.cmpi ne, %swap3A_15, %swap3A_17 : vector<2048x128xi32>
    tpu.vector_store %arg4[%swap3A, %swap3A_14], %swap3A_16 {strides = array<i32>} : memref<2048x128xi32, #tpu.memory_space<vmem>>, vector<2048x128xi32>,
    return
  }
  func.func @transform_0(%arg0: i32) -> (i32, i32) {
    %c0_i32 = arith.constant 0 : i32
    %c0_i32_0 = arith.constant 0 : i32
    return %arg0, %c0_i32 : i32, i32
  }
  func.func @transform_1(%arg0: i32) -> (i32, i32) {
    %c0_i32 = arith.constant 0 : i32
    %c0_i32_0 = arith.constant 0 : i32
    return %arg0, %c0_i32 : i32, i32
  }
  func.func @transform_2(%arg0: i32) -> (i32, i32) {
    %c0_i32 = arith.constant 0 : i32
    %c0_i32_0 = arith.constant 0 : i32
    %c0_i32_1 = arith.constant 0 : i32
    return %c0_i32, %c0_i32_0 : i32, i32
  }
  func.func @transform_3(%arg0: i32) -> (i32, i32) {
    %c0_i32 = arith.constant 0 : i32
    %c0_i32_0 = arith.constant 0 : i32
    return %arg0, %c0_i32 : i32, i32
  }
}

</mosaic_0001>

<sc_bundles>
// kernel: kernel.6.cloned.1.call-start
scs
__scs_entry_jumppad:
0x0: {  	(pc) =	sbr.rel $0x88, $3  }
0x1: {  	(tag) =	ssettag $0x0;
	lr =	simm.s32 $0x1  }
0x2: {  	[smem:$0x3F9F] =	sst lr;
	_ =	strace $0xD0000000  }
0x3: {  	_ = 	snop  }
0x4: {  	_ = 	snop  }
0x5: {  	_ = 	snop  }
0x6: {  	_ = 	snop  }
0x7: {  	_ = 	snop  }
__scs_overlays_trampoline_lowered:
0x8: {  	[smem:$0x3FAE] =	sst s0  }
0x9: {  	[smem:$0x3FAF] =	sst s1  }
0xa: {  	[smem:$0x3FB0] =	sst s2  }
0xb: {  	[smem:$0x3FB1] =	sst s3  }
0xc: {  	[smem:$0x3FB2] =	sst s4  }
0xd: {  	[smem:$0x3FB3] =	sst s5  }
0xe: {  	[smem:$0x3FB4] =	sst s6  }
0xf: {  	[smem:$0x3FB5] =	sst s7  }
0x10: {  	[smem:$0x3FB6] =	sst s8  }
0x11: {  	[smem:$0x3FB7] =	sst s9;
	s0 =	simm.s32 @!p0 $0x0  }
0x12: {  	s1 =	sld [smem:$0x3F9D];
	s0 =	simm.s32 @p0 $0x1  }
0x13: {  	[smem:$0x3FB8] =	sst s0;
	s0 =	simm.s32 @!p1 $0x0  }
0x14: {  	s2 =	sld [smem:$0x3F9C];
	s0 =	simm.s32 @p1 $0x1  }
0x15: {  	[smem:$0x3FB9] =	sst s0;
	s0 =	simm.s32 @!p2 $0x0  }
0x16: {  	s3 =	sld [smem:$0x3FDB];
	s0 =	simm.s32 @p2 $0x1  }
0x17: {  	s4 =	simm.s32 $0x1BF5;
	[smem:$0x3FBB] =	sst s0  }
0x18: {  	s0 =	sld [smem:$0x3F9E];
	_ =	swait.ge [sflag:s4], $0x0  }
0x19: {  	s7 =	sld [smem:$0x3F9F]  }
0x1a: {  	s8 =	sadd.s32 $0xFFFFE003, lr  }
0x1b: {  	s9 =	sadd.s32 $0xFFFFFEF7, lr;
	s5 =	simm.s32 $0xFFFFFFFF;
	p2 =	slt.u32 s8, $0xFFFFF086  }
0x1c: {  	p1 =	slt.u32 s9, $0xF7A;
	s5 =	simm.s32 @!p2 $0x0  }
0x1d: {  	s5 =	simm.s32 @p1 $0x1;
	p0 =	seq.s32 s7, s2  }
0x1e: {  	s7 =	smul.u32 @!p0 $0xF7A, s2;
	p2 =	seq.s32 @!p0 s5, $0x0  }
0x1f: {  	s9 =	smul.u32 $0xF7A, s1;
	s8 =	simm.s32 @!p0 $0x1BF5;
	p2 =	por !p2, p0  }
0x20: {  	[sflag:s8] =	ssyncset.s32 @!p0 $0xFFFFF086;
	s6 =	sadd.s32 @!p0 s3, s7;
	s7 =	simm.s32 @!p0 $0x108  }
0x21: {  	s3 =	sadd.s32 s3, s9;
	s6 =	sadd.s32 @!p0 $0x88, s6;
	s7 =	simm.s32 @p2 $0x1082  }
0x22: {  	[simem:s7], [sflag:s8] =	dma.local @!p0 [hbm:s6], $0xF7A  }
0x23: {  	s9 =	sor.u32 $0xD0000000, s2;
	s6 =	simm.s32 $0x108;
	_ =	swait.ge @!p0 [sflag:s8], $0x0  }
0x24: {  	s3 =	sadd.s32 $0x88, s3;
	s6 =	simm.s32 @!p1 $0x1082;
	[sflag:s4] =	ssyncset.s32 $0xFFFFF086  }
0x25: {  	[simem:s6], [sflag:s4] =	dma.local [hbm:s3], $0xF7A  }
0x26: {  	[smem:$0x3F9F] =	sst s1;
	(tag) =	ssettag s2;
	_ =	strace s9  }
0x27: {  	s1 =	sld [smem:$0x3FAF]  }
0x28: {  	s2 =	sld [smem:$0x3FB0]  }
0x29: {  	s4 =	sld [smem:$0x3FB2]  }
0x2a: {  	p0 =	seq.s32 s5, $0x0;
	s5 =	sld [smem:$0x3FB3]  }
0x2b: {  	s6 =	sld [smem:$0x3FB4]  }
0x2c: {  	s7 =	sld [smem:$0x3FB5]  }
0x2d: {  	s3 =	simm.s32 $0x108;
	s8 =	sld [smem:$0x3FB6]  }
0x2e: {  	s3 =	simm.s32 @!p0 $0x1082;
	s9 =	sld [smem:$0x3FB7]  }
0x2f: {  	lr =	sadd.s32 s0, s3;
	s0 =	sld [smem:$0x3FAE]  }
0x30: {  	s3 =	sld [smem:$0x3FB1]  }
0x31: {  	[smem:$0x3FBA] =	sst s10  }
0x32: {  	s10 =	sld [smem:$0x3FB8];
	_ =	sdelay $0x3  }
0x33: {  	p0 =	seq.s32 s10, $0x1;
	s10 =	sld [smem:$0x3FBA];
	_ =	sdelay $0x3  }
0x34: {  	[smem:$0x3FBA] =	sst s10  }
0x35: {  	s10 =	sld [smem:$0x3FB9];
	_ =	sdelay $0x3  }
0x36: {  	p1 =	seq.s32 s10, $0x1;
	s10 =	sld [smem:$0x3FBA];
	_ =	sdelay $0x3  }
0x37: {  	[smem:$0x3FBA] =	sst s10  }
0x38: {  	s10 =	sld [smem:$0x3FBB]  }
0x39: {  	_ = 	snop;
	(pc) =	sbr.ind lr, $3  }
0x3a: {  	_ = 	snop  }
0x3b: {  	_ = 	snop  }
0x3c: {  	p2 =	seq.s32 s10, $0x1;
	s10 =	sld [smem:$0x3FBA]  }
0x3d: {  	_ =	shalt  }
0x3e: {  	_ =	shalt  }
0x3f: {  	_ =	shalt  }
0x40: {  	_ =	shalt  }
0x41: {  	_ =	shalt  }
0x42: {  	_ =	shalt  }
0x43: {  	_ =	shalt  }
0x44: {  	_ =	shalt  }
0x45: {  	_ =	shalt  }
0x46: {  	_ =	shalt  }
0x47: {  	_ =	shalt  }
0x48: {  	_ =	shalt  }
0x49: {  	_ =	shalt  }
0x4a: {  	_ =	shalt  }
0x4b: {  	_ =	shalt  }
0x4c: {  	_ =	shalt  }
0x4d: {  	_ =	shalt  }
0x4e: {  	_ =	shalt  }
0x4f: {  	_ =	shalt  }
0x50: {  	_ =	shalt  }
0x51: {  	_ =	shalt  }
0x52: {  	_ =	shalt  }
0x53: {  	_ =	shalt  }
0x54: {  	_ =	shalt  }
0x55: {  	_ =	shalt  }
0x56: {  	_ =	shalt  }
0x57: {  	_ =	shalt  }
0x58: {  	_ =	shalt  }
0x59: {  	_ =	shalt  }
0x5a: {  	_ =	shalt  }
0x5b: {  	_ =	shalt  }
0x5c: {  	_ =	shalt  }
0x5d: {  	_ =	shalt  }
0x5e: {  	_ =	shalt  }
0x5f: {  	_ =	shalt  }
0x60: {  	_ =	shalt  }
0x61: {  	_ =	shalt  }
0x62: {  	_ =	shalt  }
0x63: {  	_ =	shalt  }
0x64: {  	_ =	shalt  }
0x65: {  	_ =	shalt  }
0x66: {  	_ =	shalt  }
0x67: {  	_ =	shalt  }
0x68: {  	_ =	shalt  }
0x69: {  	_ =	shalt  }
0x6a: {  	_ =	shalt  }
0x6b: {  	_ =	shalt  }
0x6c: {  	_ =	shalt  }
0x6d: {  	_ =	shalt  }
0x6e: {  	_ =	shalt  }
0x6f: {  	_ =	shalt  }
0x70: {  	_ =	shalt  }
0x71: {  	_ =	shalt  }
0x72: {  	_ =	shalt  }
0x73: {  	_ =	shalt  }
0x74: {  	_ =	shalt  }
0x75: {  	_ =	shalt  }
0x76: {  	_ =	shalt  }
0x77: {  	_ =	shalt  }
0x78: {  	_ =	shalt  }
0x79: {  	_ =	shalt  }
0x7a: {  	_ =	shalt  }
0x7b: {  	_ =	shalt  }
0x7c: {  	_ =	shalt  }
0x7d: {  	_ =	shalt  }
0x7e: {  	_ =	shalt  }
0x7f: {  	_ =	shalt  }
0x80: {  	_ =	shalt  }
0x81: {  	_ =	shalt  }
0x82: {  	_ =	shalt  }
0x83: {  	_ =	shalt  }
0x84: {  	_ =	shalt  }
0x85: {  	_ =	shalt  }
0x86: {  	_ =	shalt  }
0x87: {  	_ =	shalt  }
.Lfunc_end0:
.L_simem_size_0:
called_computation_lowered:
.L_overlay_start_0:
0x88: {  	s2 =	sld [smem:$0x3FD9]  }
0x89: {  	s3 =	sld [smem:$0x3FFE];
	_ =	sdelay $0x1  }
0x8a: {  	s1 =	srdreg.scid  }
0x8b: {  	s0 =	sand.u32 $0x1, s1  }
0x8c: {  	s14 =	sshll.u32 s0, $0xA;
	s2 =	sadd.s32 s3, s2  }
0x8d: {  	s2 =	sadd.s32 s2, s14  }
0x8e: {  	[smem:$0x3FC6] =	sst s2  }
0x8f: {  	_ = 	snop  }
0x90: {  	s2 =	sld [smem:$0x3FD0];
	_ =	sdelay $0x2  }
0x91: {  	s15 =	simm.s32 $0xA;
	s4 =	simm.s32 $0x10  }
0x92: {  	[smem:s4], [sflag:s15] =	dma.local [hbm:s2], $0x1  }
0x93: {  	_ =	swait.eq [sflag:s15], $0x1  }
0x94: {  	[sflag:s15] =	ssyncset.done $0x0  }
0x95: {  	s16 =	sld [smem:$0x10];
	[sflag:s15] =	ssyncadd.s32 $0xFFFFFFFF  }
0x96: {  	s17 =	sld [smem:$0x11];
	(tm) =	ssettm $0x1  }
0x97: {  	s18 =	sld [smem:$0x3FFB];
	_ =	sdelay $0x3  }
0x98: {  	_ =	strace s18  }
0x99: {  	s4 =	sld [smem:$0x3FFC];
	_ =	sdelay $0x3  }
0x9a: {  	_ =	strace s4  }
0x9b: {  	s4 =	sld [smem:$0x3FFD];
	_ =	sdelay $0x3  }
0x9c: {  	_ =	strace s4  }
0x9d: {  	_ =	strace $0x8FFFFFFF  }
0x9e: {  	s19 =	sld [smem:$0x3FDB];
	_ =	sdelay $0x1  }
0x9f: {  	s5 =	simm.s32 $_scs_section_size  }
0xa0: {  	s6 =	simm.s32 $_size__tile_overlayer_lowered;
	s7 =	simm.s32 $_tile_overlayer_lowered  }
0xa1: {  	s22 =	simm.s32 $0x1BFF;
	s21 =	sshll.u32 s7, $0x1;
	s4 =	sadd.s32 s5, s19  }
0xa2: {  	s8 =	simm.s32 $0x0;
	s20 =	sshll.u32 s6, $0x1;
	s6 =	sadd.s32 s21, s4  }
0xa3: {  	[timem:s8], [sflag:s22] =	dma.local [hbm:s6], s20  }
0xa4: {  	_ =	swait.ge [sflag:s22], s20  }
0xa5: {  	s5 =	ssub.s32 $0x0, s20;
	[sflag:s22] =	ssyncset.done $0x0  }
0xa6: {  	[sflag:s22] =	ssyncadd.s32 s5;
	_ =	sdelay $0x1  }
0xa7: {  	s23 =	simm.s32 $0x1B8B  }
0xa8: {  	_ =	swait.ge [sflag:s23], $0x1  }
0xa9: {  	[sflag:s23] =	ssyncset.done $0x0  }
0xaa: {  	s25 =	simm.s32 $0x1B8E;
	s24 =	sld [smem:$0x3FFE];
	[sflag:s23] =	ssyncadd.s32 $0xFFFFFFFF  }
0xab: {  	s26 =	simm.s32 $execute0_lowered;
	[smem:$0x3FD2] =	sst s25  }
0xac: {  	s6 =	sshll.u32 s26, $0x1;
	_ =	strace $0x80000046;
	[dreg:$0x1] =	wrdreg $0xFFFFFFFF  }
0xad: {  	s28 =	simm.s32 $_size_execute0_lowered;
	s4 =	sadd.s32 s4, s6;
	[dreg:$0x0] =	wrdreg $0x0  }
0xae: {  	s6 =	sshll.u32 s28, $0x1;
	[dreg:$0x2] =	wrdreg s4  }
0xaf: {  	[dreg:$0x3] =	wrdreg s6  }
0xb0: {  	[dreg:$0x4] =	wrdreg $0xC0  }
0xb1: {  	_ =	task [dreg:s8], $0x5FFFF  }
0xb2: {  	[dreg:$0x1] =	wrdreg $0xFFFFFFFF  }
0xb3: {  	[dreg:$0x0] =	wrdreg $0x60  }
0xb4: {  	[dreg:$0x2] =	wrdreg s24  }
0xb5: {  	[dreg:$0x3] =	wrdreg s16  }
0xb6: {  	[dreg:$0x4] =	wrdreg s17  }
0xb7: {  	[dreg:$0x5] =	wrdreg $0xA0000  }
0xb8: {  	[dreg:$0x6] =	wrdreg $0x9  }
0xb9: {  	_ =	task.clear_ibuf [dreg:s8], $0x7FFFF;
	_ =	strace $0x90000046  }
0xba: {  	s29 =	simm.s32 $0x9;
	_ =	strace $0x80000048  }
0xbb: {  	_ =	swait.ge [sflag:s29], $0x1  }
0xbc: {  	[sflag:s29] =	ssyncadd.s32 $0xFFFFFFFF  }
0xbd: {  	_ =	strace $0x90000048  }
0xbe: {  	_ =	sfence  }
0xbf: {  	s30 =	sld [smem:$0x0];
	_ =	sdelay $0x2  }
0xc0: {  	s31 =	sshll.u32 s1, $0xD;
	s1 =	sshrl.u32 s1, $0x2  }
0xc1: {  	s3 =	sand.u32 $0x4000, s31;
	s1 =	sadd.s32 s1, s30  }
0xc2: {  	s0 =	sor.u32 s3, s0;
	s1 =	sshll.u32 s1, $0x11  }
0xc3: {  	s0 =	sor.u32 s1, s0  }
0xc4: {  	s0 =	sadd.s32 $0x8F2B, s0  }
0xc5: {  	[sflag:s0] =	ssyncadd.remote.s32 $0x1  }
0xc6: {  	_ =	sfence.sel $0xFFFF  }
0xc7: {  	[dreg:$0x0] =	wrdreg $0xFFFFFFFF;
	(pc) =	sbr.abs _section_cstart, $3  }
0xc8: {  	[dreg:$0x1] =	wrdreg $0xFFFFFFFF  }
0xc9: {  	_ =	task.clear_ibuf [dreg:s8], $0x2FFFF;
	_ =	strace $0x9FFFFFFF  }
0xca: {  	(tm) =	ssettm $0x7FFFFFFF  }
0xcb: {  	_ =	shalt  }
tec
execute0_lowered:
.L_overlay_start_1:
0x0: {  	(tag) =	ssettag $0x1  }
0x1: {  	s0 =	rddreg [dreg:$0x0]  }
0x2: {  	s3 =	rddreg [dreg:$0x3]  }
0x3: {  	s4 =	simm.s32 $0x0;
	s1 =	srdreg.scid;
	s12 =	stileid.u32  }
0x4: {  	s28 =	simm.s32 $0x4000;
	s29 =	simm.s32 $0x6000;
	s30 =	simm.s32 $0x0  }
0x5: {  	[smem:$0x7FF] =	sst s4;
	s1 =	sand.u32 $0x1, s1;
	s8 =	sadd.s32 $0x181400, s0  }
0x6: {  	s2 =	sadd.s32 $0x1400, s0;
	s0 =	sadd.s32 $0x201400, s0;
	s9 =	sshll.u32 s12, $0xF  }
0x7: {  	s21 =	sshll.u32 s12, $0x10;
	s22 =	sshll.u32 s12, $0xD;
	_ =	strace $0x80000047  }
0x8: {  	s5 =	ssub.s32 $0x2, s1;
	s7 =	sadd.s32 s0, s9;
	s11 =	sor.u32 $0x400, s9  }
0x9: {  	s10 =	sadd.s32 s21, s3;
	s12 =	sadd.s32 s8, s9;
	[dreg:$0x6] =	wrdreg s22  }
0xa: {  	p0 =	seq.s32 s1, $0x0;
	s6 =	sshrl.u32 s5, $0x1;
	s16 =	sadd.s32 s0, s11  }
0xb: {  	s23 =	sadd.s32 s8, s11;
	s0 =	sor.u32 $0x20000, s22;
	s17 =	sadd.s32 $0x2000, s10  }
0xc: {  	s25 =	sadd.s32 $0x4000, s10;
	s26 =	sadd.s32 $0x6000, s10;
	[dreg:$0x7] =	wrdreg s23  }
0xd: {  	s31 =	sadd.s32 $0x8000, s10;
	s20 =	sadd.s32 $0xA000, s10;
	[dreg:$0x8] =	wrdreg s0  }
0xe: {  	s21 =	sadd.s32 $0xC000, s10;
	s22 =	sadd.s32 $0xE000, s10;
	[dreg:$0xa] =	wrdreg s25  }
0xf: {  	s5 =	ssub.s32 s5, s6;
	s6 =	sadd.s32 s2, s9;
	[dreg:$0xb] =	wrdreg s26  }
0x10: {  	s2 =	sadd.s32 s2, s11;
	[dreg:$0xc] =	wrdreg s31;
	s23 =	simm.s32 $0x8000  }
0x11: {  	s25 =	simm.s32 $0x1;
	[dreg:$0x5] =	wrdreg s2;
	s24 =	smax.u32 s5, $0x1  }
0x12: {  	v0 =	vimm.f32 $0.0e+00;
	v1 =	vimm.f32 $1.000000000e+00;
	s26 =	simm.s32 $0x2000;
	[dreg:$0x9] =	wrdreg s24;
	s24 =	simm.s32 $0x5  }
.LBB2_1:
0x13: {  	s0 =	simm.s32 $0x40;
	s1 =	simm.s32 $0x0  }
.LBB2_2:
0x14: {  	p1 =	sne.s32 s0, $0x7FC0;
	[tilespmem:s1+$0x8000] =	vst v0;
	s1 =	smov.u32 s0;
	s0 =	sadd.s32 $0x40, s0  }
.Ltmp0:
0x15: {  	(pc) =	sbr.rel @p1 .LBB2_2-.Ltmp0, $2  }
0x16: {  	_ =	sdelay $0x2  }
0x17: {  	s1 =	sshra.s32 s1, $0x2  }
0x18: {  	[tilespmem:s1+$0x8000] =	vst v0;
	s0 =	simm.s32 $0x40;
	s1 =	simm.s32 $0x0  }
.LBB2_4:
0x19: {  	p1 =	sne.s32 s0, $0x7FC0;
	[tilespmem:s1+$0x4000] =	vst v1;
	s1 =	smov.u32 s0;
	s0 =	sadd.s32 $0x40, s0  }
.Ltmp1:
0x1a: {  	(pc) =	sbr.rel @p1 .LBB2_4-.Ltmp1, $2  }
0x1b: {  	_ =	sdelay $0x2  }
0x1c: {  	s1 =	sshra.s32 s1, $0x2  }
0x1d: {  	[tilespmem:s1+$0x4000] =	vst v1;
	s0 =	simm.s32 $0x40;
	s1 =	simm.s32 $0x0  }
.LBB2_6:
0x1e: {  	p1 =	sne.s32 s0, $0x7FC0;
	[tilespmem:s1+$0x6000] =	vst v1;
	s1 =	smov.u32 s0;
	s0 =	sadd.s32 $0x40, s0  }
.Ltmp2:
0x1f: {  	(pc) =	sbr.rel @p1 .LBB2_6-.Ltmp2, $2  }
0x20: {  	_ =	sdelay $0x2  }
0x21: {  	s1 =	sshra.s32 s1, $0x2  }
0x22: {  	[tilespmem:s1+$0x6000] =	vst v1  }
0x23: {  	[tilespmem:s4], [sflag:$0x1] =	stream.linear.gather [hbm4b:s6+s4], $0x2000, $0x38;
	[tilespmem:$0x1A080] =	vst v63  }
0x24: {  	s0 =	simm.s32 @p0 $0x0;
	s1 =	simm.s32 @p0 $0x2000;
	s5 =	rddreg [dreg:$0x5]  }
0x25: {  	[tilespmem:s1], [sflag:$0x2] =	stream.linear.gather @p0 [hbm4b:s5+s0], $0x2000, $0x38;
	[tilespmem:$0x1A080] =	vst v63  }
0x26: {  	s0 =	simm.s32 @!p0 $0x0;
	s1 =	simm.s32 @!p0 $0x4000  }
0x27: {  	[tilespmem:s1], [sflag:$0x3] =	stream.linear.gather @!p0 [hbm4b:s7+s0], $0x2000, $0x38;
	[tilespmem:$0x1A080] =	vst v63  }
0x28: {  	s2 =	simm.s32 @!p0 $0x2000  }
0x29: {  	[tilespmem:s2], [sflag:$0x2] =	stream.linear.gather @!p0 [hbm4b:s5+s0], $0x2000, $0x38;
	[tilespmem:$0x1A080] =	vst v63  }
0x2a: {  	s2 =	simm.s32 @!p0 $0x6000  }
0x2b: {  	[tilespmem:s2], [sflag:$0x4] =	stream.linear.gather @!p0 [hbm4b:s16+s0], $0x2000, $0x38;
	[tilespmem:$0x1A080] =	vst v63  }
0x2c: {  	_ = 	snop  }
0x2d: {  	[spmem:s10] =	stream.linear.scatter [tilespmem:s23], [sflag:$0x5], $0x2000, $0x38;
	[tilespmem:$0x1A080] =	vst v63  }
0x2e: {  	_ =	swait.ge [sflag:s24], $0x2000  }
0x2f: {  	[sflag:s24] =	ssyncset.done $0x0  }
0x30: {  	[sflag:s24] =	ssyncadd.s32 $0xFFFFE000  }
0x31: {  	[spmem:s17] =	stream.linear.scatter [tilespmem:s23], [sflag:$0x5], $0x2000, $0x38;
	[tilespmem:$0x1A080] =	vst v63  }
0x32: {  	_ =	swait.ge [sflag:s24], $0x2000  }
0x33: {  	[sflag:s24] =	ssyncset.done $0x0  }
0x34: {  	s18 =	rddreg [dreg:$0xa];
	[sflag:s24] =	ssyncadd.s32 $0xFFFFE000  }
0x35: {  	[spmem:s18] =	stream.linear.scatter [tilespmem:s23], [sflag:$0x5], $0x2000, $0x38;
	[tilespmem:$0x1A080] =	vst v63  }
0x36: {  	_ =	swait.ge [sflag:s24], $0x2000  }
0x37: {  	[sflag:s24] =	ssyncset.done $0x0  }
0x38: {  	s19 =	rddreg [dreg:$0xb];
	[sflag:s24] =	ssyncadd.s32 $0xFFFFE000  }
0x39: {  	[spmem:s19] =	stream.linear.scatter [tilespmem:s23], [sflag:$0x5], $0x2000, $0x38;
	[tilespmem:$0x1A080] =	vst v63  }
0x3a: {  	_ =	swait.ge [sflag:s24], $0x2000  }
0x3b: {  	[sflag:s24] =	ssyncset.done $0x0  }
0x3c: {  	s31 =	rddreg [dreg:$0xc];
	[sflag:s24] =	ssyncadd.s32 $0xFFFFE000  }
0x3d: {  	[spmem:s31] =	stream.linear.scatter [tilespmem:s23], [sflag:$0x5], $0x2000, $0x38;
	[tilespmem:$0x1A080] =	vst v63  }
0x3e: {  	_ =	swait.ge [sflag:s24], $0x2000  }
0x3f: {  	[sflag:s24] =	ssyncset.done $0x0  }
0x40: {  	[sflag:s24] =	ssyncadd.s32 $0xFFFFE000  }
0x41: {  	[spmem:s20] =	stream.linear.scatter [tilespmem:s23], [sflag:$0x5], $0x2000, $0x38;
	[tilespmem:$0x1A080] =	vst v63  }
0x42: {  	_ =	swait.ge [sflag:s24], $0x2000  }
0x43: {  	[sflag:s24] =	ssyncset.done $0x0  }
0x44: {  	[sflag:s24] =	ssyncadd.s32 $0xFFFFE000  }
0x45: {  	[spmem:s21] =	stream.linear.scatter [tilespmem:s23], [sflag:$0x5], $0x2000, $0x38;
	[tilespmem:$0x1A080] =	vst v63  }
0x46: {  	_ =	swait.ge [sflag:s24], $0x2000  }
0x47: {  	[sflag:s24] =	ssyncset.done $0x0  }
0x48: {  	[sflag:s24] =	ssyncadd.s32 $0xFFFFE000  }
0x49: {  	[spmem:s22] =	stream.linear.scatter [tilespmem:s23], [sflag:$0x5], $0x2000, $0x38;
	[tilespmem:$0x1A080] =	vst v63  }
0x4a: {  	_ =	swait.ge [sflag:s24], $0x2000  }
0x4b: {  	[sflag:s24] =	ssyncset.done $0x0  }
0x4c: {  	[sflag:s24] =	ssyncadd.s32 $0xFFFFE000  }
0x4d: {  	[bflag:$0x0] =	sbarrier.arrive $0xFFFF  }
0x4e: {  	_ =	swait.ge [sflag:s25], $0x2000  }
0x4f: {  	[sflag:s25] =	ssyncset.done $0x0  }
0x50: {  	s5 =	simm.s32 @!p0 $0x3;
	[sflag:s25] =	ssyncadd.s32 $0xFFFFE000  }
0x51: {  	_ =	swait.ge @!p0 [sflag:s5], $0x2000  }
0x52: {  	[sflag:s5] =	ssyncset.done @!p0 $0x0  }
0x53: {  	[sflag:s5] =	ssyncadd.s32 @!p0 $0xFFFFE000  }
0x54: {  	[spmem:s3] =	stream.indirect.scatter.add.f32 [tilespmem:s28], [sflag:$0x5], $0x1, s4, s26, $0xb8;
	[tilespmem:$0x1A080] =	vst v63  }
0x55: {  	_ =	swait.ge [sflag:s24], $0x2000  }
0x56: {  	s8 =	sadd.s32 $0xFFFF8800, s6;
	[sflag:s24] =	ssyncset.done $0x0  }
0x57: {  	s13 =	sadd.s32 @!p0 $0xFFFF8800, s7;
	s9 =	sadd.s32 $0x8000, s8;
	[sflag:s24] =	ssyncadd.s32 $0xFFFFE000  }
0x58: {  	[tilespmem:s4], [sflag:$0x1] =	stream.linear.gather [hbm4b:s9+s4], $0x2000, $0x38;
	[tilespmem:$0x1A080] =	vst v63  }
0x59: {  	s14 =	simm.s32 @!p0 $0x2;
	s9 =	sadd.s32 @!p0 $0x8000, s13  }
0x5a: {  	[tilespmem:s1], [sflag:$0x3] =	stream.linear.gather @!p0 [hbm4b:s9+s0], $0x2000, $0x38;
	[tilespmem:$0x1A080] =	vst v63  }
0x5b: {  	_ =	swait.ge @!p0 [sflag:s14], $0x2000  }
0x5c: {  	s11 =	simm.s32 @!p0 $0x4;
	[sflag:s14] =	ssyncset.done @!p0 $0x0  }
0x5d: {  	s11 =	simm.s32 @p0 $0x2;
	[sflag:s14] =	ssyncadd.s32 @!p0 $0xFFFFE000  }
0x5e: {  	_ =	swait.ge [sflag:s11], $0x2000  }
0x5f: {  	[sflag:s11] =	ssyncset.done $0x0  }
0x60: {  	[sflag:s11] =	ssyncadd.s32 $0xFFFFE000  }
0x61: {  	[spmem:s3] =	stream.indirect.scatter.add.f32 [tilespmem:s29], [sflag:$0x5], $0x1, s26, s26, $0xb8;
	[tilespmem:$0x1A080] =	vst v63  }
0x62: {  	_ =	swait.ge [sflag:s24], $0x2000  }
0x63: {  	[sflag:s24] =	ssyncset.done $0x0  }
0x64: {  	s8 =	sadd.s32 $0x8400, s8;
	[sflag:s24] =	ssyncadd.s32 $0xFFFFE000  }
0x65: {  	[tilespmem:s26], [sflag:$0x2] =	stream.linear.gather [hbm4b:s8+s4], $0x2000, $0x38;
	[tilespmem:$0x1A080] =	vst v63  }
0x66: {  	s9 =	sadd.s32 @!p0 $0x8400, s13;
	s8 =	simm.s32 $0xFFFF9000  }
.LBB2_8:
0x67: {  	[tilespmem:s2], [sflag:$0x4] =	stream.linear.gather @!p0 [hbm4b:s9+s0], $0x2000, $0x38;
	[tilespmem:$0x1A080] =	vst v63  }
0x68: {  	s9 =	smov.u32 s8;
	s8 =	sadd.s32 $0x800, s8;
	_ =	swait.ge [sflag:s25], $0x2000  }
0x69: {  	p1 =	sne.s32 s8, $0x0;
	[sflag:s25] =	ssyncset.done $0x0  }
0x6a: {  	[sflag:s25] =	ssyncadd.s32 $0xFFFFE000  }
0x6b: {  	_ =	swait.ge @!p0 [sflag:s5], $0x2000  }
0x6c: {  	[sflag:s5] =	ssyncset.done @!p0 $0x0  }
0x6d: {  	[sflag:s5] =	ssyncadd.s32 @!p0 $0xFFFFE000  }
0x6e: {  	[spmem:s3] =	stream.indirect.scatter.add.f32 [tilespmem:s28], [sflag:$0x5], $0x1, s4, s26, $0xb8;
	[tilespmem:$0x1A080] =	vst v63  }
0x6f: {  	_ =	swait.ge [sflag:s24], $0x2000  }
0x70: {  	s13 =	sadd.s32 s9, s6;
	[sflag:s24] =	ssyncset.done $0x0  }
0x71: {  	s9 =	sadd.s32 @!p0 s9, s7;
	s15 =	sadd.s32 $0x8000, s13;
	[sflag:s24] =	ssyncadd.s32 $0xFFFFE000  }
0x72: {  	[tilespmem:s4], [sflag:$0x1] =	stream.linear.gather [hbm4b:s15+s4], $0x2000, $0x38;
	[tilespmem:$0x1A080] =	vst v63  }
0x73: {  	s15 =	sadd.s32 @!p0 $0x8000, s9  }
0x74: {  	[tilespmem:s1], [sflag:$0x3] =	stream.linear.gather @!p0 [hbm4b:s15+s0], $0x2000, $0x38;
	[tilespmem:$0x1A080] =	vst v63  }
0x75: {  	_ =	swait.ge @!p0 [sflag:s14], $0x2000  }
0x76: {  	[sflag:s14] =	ssyncset.done @!p0 $0x0  }
0x77: {  	[sflag:s14] =	ssyncadd.s32 @!p0 $0xFFFFE000  }
0x78: {  	_ =	swait.ge [sflag:s11], $0x2000  }
0x79: {  	[sflag:s11] =	ssyncset.done $0x0  }
0x7a: {  	[sflag:s11] =	ssyncadd.s32 $0xFFFFE000  }
0x7b: {  	[spmem:s3] =	stream.indirect.scatter.add.f32 [tilespmem:s29], [sflag:$0x5], $0x1, s26, s26, $0xb8;
	[tilespmem:$0x1A080] =	vst v63  }
.Ltmp3:
0x7c: {  	_ =	swait.ge [sflag:s24], $0x2000;
	(pc) =	sbr.rel @p1 .LBB2_8-.Ltmp3, $4  }
0x7d: {  	[sflag:s24] =	ssyncset.done $0x0  }
0x7e: {  	s13 =	sadd.s32 $0x8400, s13;
	[sflag:s24] =	ssyncadd.s32 $0xFFFFE000  }
0x7f: {  	[tilespmem:s26], [sflag:$0x2] =	stream.linear.gather [hbm4b:s13+s4], $0x2000, $0x38;
	[tilespmem:$0x1A080] =	vst v63  }
0x80: {  	s9 =	sadd.s32 @!p0 $0x8400, s9  }
0x81: {  	[tilespmem:s2], [sflag:$0x4] =	stream.linear.gather @!p0 [hbm4b:s9+s0], $0x2000, $0x38;
	[tilespmem:$0x1A080] =	vst v63  }
0x82: {  	_ =	swait.ge [sflag:s25], $0x2000  }
0x83: {  	s8 =	simm.s32 @p0 $0x2000;
	[sflag:s25] =	ssyncset.done $0x0  }
0x84: {  	s9 =	simm.s32 @p0 $0x0;
	s0 =	simm.s32 @p0 $0x4000;
	[sflag:s25] =	ssyncadd.s32 $0xFFFFE000  }
0x85: {  	[spmem:s3] =	stream.indirect.scatter.add.f32 @p0 [tilespmem:s0], [sflag:$0x5], $0x1, s9, s8, $0xb8;
	[tilespmem:$0x1A080] =	vst v63  }
0x86: {  	_ =	swait.ge @!p0 [sflag:s5], $0x2000  }
0x87: {  	s13 =	simm.s32 @!p0 $0x2000;
	s2 =	simm.s32 @!p0 $0x0;
	[sflag:s5] =	ssyncset.done @!p0 $0x0  }
0x88: {  	s0 =	simm.s32 @!p0 $0x5;
	[sflag:s5] =	ssyncadd.s32 @!p0 $0xFFFFE000;
	s5 =	simm.s32 @!p0 $0x4000  }
0x89: {  	[spmem:s3] =	stream.indirect.scatter.add.f32 @!p0 [tilespmem:s5], [sflag:$0x5], $0x1, s2, s13, $0xb8;
	[tilespmem:$0x1A080] =	vst v63  }
0x8a: {  	_ =	swait.ge @!p0 [sflag:s0], $0x2000  }
0x8b: {  	[sflag:s0] =	ssyncset.done @!p0 $0x0  }
0x8c: {  	s14 =	simm.s32 @p0 $0x5;
	[sflag:s0] =	ssyncadd.s32 @!p0 $0xFFFFE000  }
0x8d: {  	_ =	swait.ge [sflag:s14], $0x2000  }
0x8e: {  	[sflag:s14] =	ssyncset.done $0x0  }
0x8f: {  	[sflag:s14] =	ssyncadd.s32 $0xFFFFE000  }
0x90: {  	_ =	swait.ge [sflag:s11], $0x2000  }
0x91: {  	[sflag:s11] =	ssyncset.done $0x0  }
0x92: {  	[sflag:s11] =	ssyncadd.s32 $0xFFFFE000  }
0x93: {  	[spmem:s3] =	stream.indirect.scatter.add.f32 [tilespmem:s29], [sflag:$0x5], $0x1, s26, s26, $0xb8;
	[tilespmem:$0x1A080] =	vst v63  }
0x94: {  	_ =	swait.ge [sflag:s24], $0x2000  }
0x95: {  	[sflag:s24] =	ssyncset.done $0x0  }
0x96: {  	s31 =	rddreg [dreg:$0x2];
	[sflag:s24] =	ssyncadd.s32 $0xFFFFE000  }
0x97: {  	s18 =	stileid.u32;
	s0 =	rddreg [dreg:$0x1];
	[bflag:$0x0] =	sbarrier.arrive $0xFFFF  }
0x98: {  	s31 =	smov.u32 @p0 s0;
	s0 =	sshll.u32 s18, $0x6;
	s1 =	rddreg [dreg:$0x6]  }
0x99: {  	s19 =	sadd.s32 s31, s1;
	s0 =	sor.u32 $0x1C05, s0;
	s1 =	sshrl.u32 s10, $0x3  }
0x9a: {  	[hbm:s19], [sflag:s0] =	dma.local [spmem:s1], $0x2000  }
0x9b: {  	_ =	swait.ge [sflag:s24], $0x2000  }
0x9c: {  	[sflag:s24] =	ssyncset.done $0x0  }
0x9d: {  	[sflag:s24] =	ssyncadd.s32 $0xFFFFE000  }
0x9e: {  	[tilespmem:s4], [sflag:$0x1] =	stream.linear.gather [hbm4b:s12+s4], $0x2000, $0x38;
	[tilespmem:$0x1A080] =	vst v63  }
0x9f: {  	s11 =	rddreg [dreg:$0x7]  }
0xa0: {  	[tilespmem:s8], [sflag:$0x2] =	stream.linear.gather @p0 [hbm4b:s11+s9], $0x2000, $0x38;
	[tilespmem:$0x1A080] =	vst v63  }
0xa1: {  	_ = 	snop  }
0xa2: {  	[tilespmem:s5], [sflag:$0x3] =	stream.linear.gather @!p0 [hbm4b:s7+s2], $0x2000, $0x38;
	[tilespmem:$0x1A080] =	vst v63  }
0xa3: {  	_ = 	snop  }
0xa4: {  	[tilespmem:s13], [sflag:$0x2] =	stream.linear.gather @!p0 [hbm4b:s11+s2], $0x2000, $0x38;
	[tilespmem:$0x1A080] =	vst v63  }
0xa5: {  	s14 =	simm.s32 @!p0 $0x6000  }
0xa6: {  	[tilespmem:s14], [sflag:$0x4] =	stream.linear.gather @!p0 [hbm4b:s16+s2], $0x2000, $0x38;
	[tilespmem:$0x1A080] =	vst v63  }
0xa7: {  	_ = 	snop  }
0xa8: {  	[spmem:s10] =	stream.linear.scatter [tilespmem:s23], [sflag:$0x5], $0x2000, $0x38;
	[tilespmem:$0x1A080] =	vst v63  }
0xa9: {  	_ =	swait.ge [sflag:s24], $0x2000  }
0xaa: {  	[sflag:s24] =	ssyncset.done $0x0  }
0xab: {  	[sflag:s24] =	ssyncadd.s32 $0xFFFFE000  }
0xac: {  	[spmem:s17] =	stream.linear.scatter [tilespmem:s23], [sflag:$0x5], $0x2000, $0x38;
	[tilespmem:$0x1A080] =	vst v63  }
0xad: {  	_ =	swait.ge [sflag:s24], $0x2000  }
0xae: {  	[sflag:s24] =	ssyncset.done $0x0  }
0xaf: {  	s11 =	rddreg [dreg:$0xa];
	[sflag:s24] =	ssyncadd.s32 $0xFFFFE000  }
0xb0: {  	[spmem:s11] =	stream.linear.scatter [tilespmem:s23], [sflag:$0x5], $0x2000, $0x38;
	[tilespmem:$0x1A080] =	vst v63  }
0xb1: {  	_ =	swait.ge [sflag:s24], $0x2000  }
0xb2: {  	[sflag:s24] =	ssyncset.done $0x0  }
0xb3: {  	s13 =	rddreg [dreg:$0xb];
	[sflag:s24] =	ssyncadd.s32 $0xFFFFE000  }
0xb4: {  	[spmem:s13] =	stream.linear.scatter [tilespmem:s23], [sflag:$0x5], $0x2000, $0x38;
	[tilespmem:$0x1A080] =	vst v63  }
0xb5: {  	_ =	swait.ge [sflag:s24], $0x2000  }
0xb6: {  	[sflag:s24] =	ssyncset.done $0x0  }
0xb7: {  	s15 =	rddreg [dreg:$0xc];
	[sflag:s24] =	ssyncadd.s32 $0xFFFFE000  }
0xb8: {  	[spmem:s15] =	stream.linear.scatter [tilespmem:s23], [sflag:$0x5], $0x2000, $0x38;
	[tilespmem:$0x1A080] =	vst v63  }
0xb9: {  	_ =	swait.ge [sflag:s24], $0x2000  }
0xba: {  	[sflag:s24] =	ssyncset.done $0x0  }
0xbb: {  	[sflag:s24] =	ssyncadd.s32 $0xFFFFE000  }
0xbc: {  	[spmem:s20] =	stream.linear.scatter [tilespmem:s23], [sflag:$0x5], $0x2000, $0x38;
	[tilespmem:$0x1A080] =	vst v63  }
0xbd: {  	_ =	swait.ge [sflag:s24], $0x2000  }
0xbe: {  	[sflag:s24] =	ssyncset.done $0x0  }
0xbf: {  	[sflag:s24] =	ssyncadd.s32 $0xFFFFE000  }
0xc0: {  	[spmem:s21] =	stream.linear.scatter [tilespmem:s23], [sflag:$0x5], $0x2000, $0x38;
	[tilespmem:$0x1A080] =	vst v63  }
0xc1: {  	_ =	swait.ge [sflag:s24], $0x2000  }
0xc2: {  	[sflag:s24] =	ssyncset.done $0x0  }
0xc3: {  	[sflag:s24] =	ssyncadd.s32 $0xFFFFE000  }
0xc4: {  	[spmem:s22] =	stream.linear.scatter [tilespmem:s23], [sflag:$0x5], $0x2000, $0x38;
	[tilespmem:$0x1A080] =	vst v63  }
0xc5: {  	_ =	swait.ge [sflag:s24], $0x2000  }
0xc6: {  	[sflag:s24] =	ssyncset.done $0x0  }
0xc7: {  	[sflag:s24] =	ssyncadd.s32 $0xFFFFE000  }
0xc8: {  	[bflag:$0x0] =	sbarrier.arrive $0xFFFF  }
0xc9: {  	_ =	swait.ge [sflag:s25], $0x2000  }
0xca: {  	[sflag:s25] =	ssyncset.done $0x0  }
0xcb: {  	s15 =	simm.s32 @!p0 $0x3;
	[sflag:s25] =	ssyncadd.s32 $0xFFFFE000  }
0xcc: {  	_ =	swait.ge @!p0 [sflag:s15], $0x2000  }
0xcd: {  	[sflag:s15] =	ssyncset.done @!p0 $0x0  }
0xce: {  	[sflag:s15] =	ssyncadd.s32 @!p0 $0xFFFFE000  }
0xcf: {  	[spmem:s3] =	stream.indirect.scatter.add.f32 [tilespmem:s28], [sflag:$0x5], $0x1, s4, s26, $0xb8;
	[tilespmem:$0x1A080] =	vst v63  }
0xd0: {  	s18 =	smov.u32 s16;
	_ =	swait.ge [sflag:s24], $0x2000  }
0xd1: {  	s19 =	smov.u32 s17;
	s16 =	sadd.s32 $0xFFFF8800, s12;
	[sflag:s24] =	ssyncset.done $0x0  }
0xd2: {  	s17 =	sadd.s32 $0x8000, s16;
	s13 =	sadd.s32 @!p0 $0xFFFF8800, s7;
	[sflag:s24] =	ssyncadd.s32 $0xFFFFE000  }
0xd3: {  	[tilespmem:s4], [sflag:$0x1] =	stream.linear.gather [hbm4b:s17+s4], $0x2000, $0x38;
	[tilespmem:$0x1A080] =	vst v63  }
0xd4: {  	s11 =	simm.s32 @!p0 $0x2;
	s8 =	sadd.s32 @!p0 $0x8000, s13  }
0xd5: {  	[tilespmem:s5], [sflag:$0x3] =	stream.linear.gather @!p0 [hbm4b:s8+s2], $0x2000, $0x38;
	[tilespmem:$0x1A080] =	vst v63  }
0xd6: {  	_ =	swait.ge @!p0 [sflag:s11], $0x2000  }
0xd7: {  	s8 =	simm.s32 @!p0 $0x4;
	[sflag:s11] =	ssyncset.done @!p0 $0x0  }
0xd8: {  	s8 =	simm.s32 @p0 $0x2;
	[sflag:s11] =	ssyncadd.s32 @!p0 $0xFFFFE000  }
0xd9: {  	_ =	swait.ge [sflag:s8], $0x2000  }
0xda: {  	[sflag:s8] =	ssyncset.done $0x0  }
0xdb: {  	[sflag:s8] =	ssyncadd.s32 $0xFFFFE000  }
0xdc: {  	[spmem:s3] =	stream.indirect.scatter.add.f32 [tilespmem:s29], [sflag:$0x5], $0x1, s26, s26, $0xb8;
	[tilespmem:$0x1A080] =	vst v63  }
0xdd: {  	_ =	swait.ge [sflag:s24], $0x2000  }
0xde: {  	[sflag:s24] =	ssyncset.done $0x0  }
0xdf: {  	s9 =	sadd.s32 $0x8400, s16;
	[sflag:s24] =	ssyncadd.s32 $0xFFFFE000  }
0xe0: {  	[tilespmem:s26], [sflag:$0x2] =	stream.linear.gather [hbm4b:s9+s4], $0x2000, $0x38;
	[tilespmem:$0x1A080] =	vst v63  }
0xe1: {  	s13 =	sadd.s32 @!p0 $0x8400, s13;
	s9 =	simm.s32 $0xFFFF9000  }
.LBB2_10:
0xe2: {  	[tilespmem:s14], [sflag:$0x4] =	stream.linear.gather @!p0 [hbm4b:s13+s2], $0x2000, $0x38;
	[tilespmem:$0x1A080] =	vst v63  }
0xe3: {  	s13 =	smov.u32 s9;
	s9 =	sadd.s32 $0x800, s9;
	_ =	swait.ge [sflag:s25], $0x2000  }
0xe4: {  	p1 =	sne.s32 s9, $0x0;
	[sflag:s25] =	ssyncset.done $0x0  }
0xe5: {  	[sflag:s25] =	ssyncadd.s32 $0xFFFFE000  }
0xe6: {  	_ =	swait.ge @!p0 [sflag:s15], $0x2000  }
0xe7: {  	[sflag:s15] =	ssyncset.done @!p0 $0x0  }
0xe8: {  	[sflag:s15] =	ssyncadd.s32 @!p0 $0xFFFFE000  }
0xe9: {  	[spmem:s3] =	stream.indirect.scatter.add.f32 [tilespmem:s28], [sflag:$0x5], $0x1, s4, s26, $0xb8;
	[tilespmem:$0x1A080] =	vst v63  }
0xea: {  	_ =	swait.ge [sflag:s24], $0x2000  }
0xeb: {  	s16 =	sadd.s32 s13, s12;
	[sflag:s24] =	ssyncset.done $0x0  }
0xec: {  	s13 =	sadd.s32 @!p0 s13, s7;
	s17 =	sadd.s32 $0x8000, s16;
	[sflag:s24] =	ssyncadd.s32 $0xFFFFE000  }
0xed: {  	[tilespmem:s4], [sflag:$0x1] =	stream.linear.gather [hbm4b:s17+s4], $0x2000, $0x38;
	[tilespmem:$0x1A080] =	vst v63  }
0xee: {  	s17 =	sadd.s32 @!p0 $0x8000, s13  }
0xef: {  	[tilespmem:s5], [sflag:$0x3] =	stream.linear.gather @!p0 [hbm4b:s17+s2], $0x2000, $0x38;
	[tilespmem:$0x1A080] =	vst v63  }
0xf0: {  	_ =	swait.ge @!p0 [sflag:s11], $0x2000  }
0xf1: {  	[sflag:s11] =	ssyncset.done @!p0 $0x0  }
0xf2: {  	[sflag:s11] =	ssyncadd.s32 @!p0 $0xFFFFE000  }
0xf3: {  	_ =	swait.ge [sflag:s8], $0x2000  }
0xf4: {  	[sflag:s8] =	ssyncset.done $0x0  }
0xf5: {  	[sflag:s8] =	ssyncadd.s32 $0xFFFFE000  }
0xf6: {  	[spmem:s3] =	stream.indirect.scatter.add.f32 [tilespmem:s29], [sflag:$0x5], $0x1, s26, s26, $0xb8;
	[tilespmem:$0x1A080] =	vst v63  }
.Ltmp4:
0xf7: {  	_ =	swait.ge [sflag:s24], $0x2000;
	(pc) =	sbr.rel @p1 .LBB2_10-.Ltmp4, $4  }
0xf8: {  	[sflag:s24] =	ssyncset.done $0x0  }
0xf9: {  	s16 =	sadd.s32 $0x8400, s16;
	[sflag:s24] =	ssyncadd.s32 $0xFFFFE000  }
0xfa: {  	[tilespmem:s26], [sflag:$0x2] =	stream.linear.gather [hbm4b:s16+s4], $0x2000, $0x38;
	[tilespmem:$0x1A080] =	vst v63  }
0xfb: {  	s13 =	sadd.s32 @!p0 $0x8400, s13  }
0xfc: {  	[tilespmem:s14], [sflag:$0x4] =	stream.linear.gather @!p0 [hbm4b:s13+s2], $0x2000, $0x38;
	[tilespmem:$0x1A080] =	vst v63  }
0xfd: {  	_ =	swait.ge [sflag:s25], $0x2000  }
0xfe: {  	s2 =	simm.s32 @p0 $0x2000;
	[sflag:s25] =	ssyncset.done $0x0  }
0xff: {  	s5 =	simm.s32 @p0 $0x0;
	s9 =	simm.s32 @p0 $0x4000;
	[sflag:s25] =	ssyncadd.s32 $0xFFFFE000  }
0x100: {  	[spmem:s3] =	stream.indirect.scatter.add.f32 @p0 [tilespmem:s9], [sflag:$0x5], $0x1, s5, s2, $0xb8;
	[tilespmem:$0x1A080] =	vst v63  }
0x101: {  	_ =	swait.ge @!p0 [sflag:s15], $0x2000  }
0x102: {  	s2 =	simm.s32 @!p0 $0x2000;
	[sflag:s15] =	ssyncset.done @!p0 $0x0  }
0x103: {  	s5 =	simm.s32 @!p0 $0x0;
	s9 =	simm.s32 @!p0 $0x4000;
	[sflag:s15] =	ssyncadd.s32 @!p0 $0xFFFFE000  }
0x104: {  	[spmem:s3] =	stream.indirect.scatter.add.f32 @!p0 [tilespmem:s9], [sflag:$0x5], $0x1, s5, s2, $0xb8;
	[tilespmem:$0x1A080] =	vst v63  }
0x105: {  	s2 =	simm.s32 @!p0 $0x5  }
0x106: {  	_ =	swait.ge @!p0 [sflag:s2], $0x2000  }
0x107: {  	[sflag:s2] =	ssyncset.done @!p0 $0x0  }
0x108: {  	s11 =	simm.s32 @p0 $0x5;
	[sflag:s2] =	ssyncadd.s32 @!p0 $0xFFFFE000  }
0x109: {  	_ =	swait.ge [sflag:s11], $0x2000  }
0x10a: {  	[sflag:s11] =	ssyncset.done $0x0  }
0x10b: {  	[sflag:s11] =	ssyncadd.s32 $0xFFFFE000  }
0x10c: {  	_ =	swait.ge [sflag:s8], $0x2000  }
0x10d: {  	[sflag:s8] =	ssyncset.done $0x0  }
0x10e: {  	[sflag:s8] =	ssyncadd.s32 $0xFFFFE000  }
0x10f: {  	[spmem:s3] =	stream.indirect.scatter.add.f32 [tilespmem:s29], [sflag:$0x5], $0x1, s26, s26, $0xb8;
	[tilespmem:$0x1A080] =	vst v63  }
0x110: {  	_ =	swait.ge [sflag:s24], $0x2000  }
0x111: {  	[sflag:s24] =	ssyncset.done $0x0  }
0x112: {  	[sflag:s24] =	ssyncadd.s32 $0xFFFFE000  }
0x113: {  	[bflag:$0x0] =	sbarrier.arrive $0xFFFF  }
0x114: {  	s17 =	rddreg [dreg:$0x8]  }
0x115: {  	s2 =	sadd.s32 s31, s17  }
0x116: {  	[hbm:s2], [sflag:s0] =	dma.local [spmem:s1], $0x2000  }
0x117: {  	_ =	swait.ge [sflag:s24], $0x2000  }
0x118: {  	s30 =	sadd.s32 $0x1, s30;
	s31 =	rddreg [dreg:$0x9]  }
0x119: {  	p1 =	sne.s32 s30, s31  }
.Ltmp5:
0x11a: {  	_ = 	snop;
	(pc) =	sbr.rel @p1 .LBB2_1-.Ltmp5, $3  }
0x11b: {  	_ =	sdelay $0x1  }
0x11c: {  	[sflag:s24] =	ssyncset.done $0x0  }
0x11d: {  	s16 =	smov.u32 s18;
	s17 =	smov.u32 s19;
	[sflag:s24] =	ssyncadd.s32 $0xFFFFE000  }
0x11e: {  	_ =	sfence.sel $0x180000  }
0x11f: {  	[bflag:$0x0] =	sbarrier.arrive $0xFFFF  }
0x120: {  	_ =	strace $0x90000047  }
0x121: {  	s0 =	stileid.u32;
	[bflag:$0x2] =	sbarrier.arrive $0xFFFF  }
0x122: {  	p0 =	sne.s32 s0, $0x0;
	s0 =	rddreg [dreg:$0x4]  }
0x123: {  	s0 =	sadd.s32 @!p0 $0x100000, s0  }
0x124: {  	[sflag:s0] =	ssyncadd.tile.s32 @!p0 $0x1;
	_ =	shalt  }
.Lfunc_end2:
_tile_overlayer_lowered:
.L_overlay_start_2:
0x125: {  	(tag) =	ssettag $0x2  }
0x126: {  	s0 =	rddreg [dreg:$0x0];
	s2 =	stileid.u32  }
0x127: {  	s1 =	rddreg [dreg:$0x1];
	p0 =	sne.s32 s2, $0x0  }
0x128: {  	s3 =	rddreg [dreg:$0x2];
	[bflag:$0x3] =	sbarrier.arrive $0xFFFF;
	s2 =	simm.s32 @!p0 $0x1C05  }
0x129: {  	[timem:s3], [sflag:s2] =	dma.local @!p0 [hbm:s0], s1  }
0x12a: {  	s0 =	simm.s32 @!p0 $0x5  }
0x12b: {  	_ =	swait.ge @!p0 [sflag:s0], s1  }
0x12c: {  	s1 =	ssub.s32 @!p0 $0x0, s1;
	[sflag:s0] =	ssyncset.done @!p0 $0x0  }
0x12d: {  	[sflag:s0] =	ssyncadd.s32 @!p0 s1  }
0x12e: {  	[bflag:$0x3] =	sbarrier.arrive $0xFFFF  }
0x12f: {  	_ =	shalt  }

</sc_bundles>
